<compile_context>
chip_gen: v7x
topology: tpu7x:2x2x1
jax: 0.10.2.dev20260603
libtpu: 0.0.44.dev20260713+nightly
codegen_flags: <defaults>
</compile_context>

<pallas_src>
import functools

import jax
import jax.numpy as jnp
from jax import lax
from jax.experimental import pallas as pl
from jax.experimental.pallas import tpu as pltpu
from jax.experimental.pallas import tpu_sc as plsc

BN_EPS = 1e-5


@functools.partial(jax.jit, static_argnames=("n", "e", "d"))
def _sc_aggregate(x, src, dst, attr, emb, *, n, e, d):
    info = plsc.get_sparse_core_info()
    nc, ns, nl = info.num_cores, info.num_subcores, info.num_lanes
    nw = nc * ns
    ew = e // nw
    S = 80
    ng = ew // S
    nemb = emb.shape[0]
    assert e % nw == 0 and ew % S == 0 and S % 8 == 0
    ZR = (n // ns) // 8 * 8
    tail = n - ns * ZR
    assert tail % 8 == 0 and tail <= ZR

    mesh = plsc.VectorSubcoreMesh(core_axis_name="c", subcore_axis_name="s")

    @functools.partial(
        pl.kernel,
        out_type=jax.ShapeDtypeStruct((nc, n, d), jnp.float32),
        mesh=mesh,
        scratch_types=[
            pltpu.VMEM((3, 1, S), jnp.int32),
            pltpu.VMEM((3, 1, S), jnp.int32),
            pltpu.VMEM((3, 1, S), jnp.int32),
            pltpu.VMEM((2, S, d), jnp.float32),
            pltpu.VMEM((2, S, d), jnp.float32),
            pltpu.VMEM_SHARED((nemb, d), jnp.float32),
            pltpu.VMEM_SHARED((n, d), jnp.float32),
            pltpu.SemaphoreType.DMA,
            pltpu.SemaphoreType.DMA,
            pltpu.SemaphoreType.DMA,
            pltpu.SemaphoreType.DMA,
        ],
    )
    def k(x_hbm, src_hbm, dst_hbm, attr_hbm, emb_hbm, out_hbm,
          src_v, dst_v, attr_v, rows_v, erows_v, emb_sh, aggr_sh,
          sem_g, sem_e, sem_i, sem_s):
        cid = lax.axis_index("c")
        sid = lax.axis_index("s")
        wid = sid * nc + cid
        ebase = wid * ew

        @pl.when(sid == 0)
        def _():
            pltpu.sync_copy(emb_hbm, emb_sh)

        def zrow(i, carry):
            for j in range(d // nl):
                rows_v[0, i, pl.ds(j * nl, nl)] = jnp.zeros((nl,), jnp.float32)
            return carry
        lax.fori_loop(0, S, zrow, 0)
        zero_v = rows_v.at[0, pl.ds(0, 80)]
        zbase = sid * ZR
        for t in range(ZR // 80):
            pltpu.sync_copy(zero_v, aggr_sh.at[pl.ds(zbase + t * 80, 80)])
        zrem = ZR % 80
        if zrem:
            pltpu.sync_copy(rows_v.at[0, pl.ds(0, zrem)],
                            aggr_sh.at[pl.ds(zbase + ZR - zrem, zrem)])

        @pl.when(sid == ns - 1)
        def _():
            pltpu.sync_copy(rows_v.at[0, pl.ds(0, tail)],
                            aggr_sh.at[pl.ds(ns * ZR, tail)])
        plsc.subcore_barrier()

        for b in range(2):
            off = ebase + b * S
            pltpu.sync_copy(src_hbm.at[pl.ds(off, S)], src_v.at[b, 0])
            pltpu.sync_copy(dst_hbm.at[pl.ds(off, S)], dst_v.at[b, 0])
            pltpu.sync_copy(attr_hbm.at[pl.ds(off, S)], attr_v.at[b, 0])
        cg = pltpu.async_copy(x_hbm.at[src_v.at[0, 0]], rows_v.at[0], sem_g)
        ce = pltpu.async_copy(emb_sh.at[attr_v.at[0, 0]], erows_v.at[0], sem_e)
        cg.wait()
        ce.wait()

        def group(g, carry):
            rb = lax.rem(g, 2)
            rb1 = lax.rem(g + 1, 2)
            b3 = lax.rem(g, 3)
            b31 = lax.rem(g + 1, 3)
            b32 = lax.rem(g + 2, 3)

            @pl.when(g > 0)
            def _():
                pltpu.make_async_copy(rows_v.at[rb1],
                                      aggr_sh.at[dst_v.at[b32, 0]],
                                      sem_s).wait()

            @pl.when(g < ng - 1)
            def _():
                pltpu.async_copy(x_hbm.at[src_v.at[b31, 0]],
                                 rows_v.at[rb1], sem_g)
                pltpu.async_copy(emb_sh.at[attr_v.at[b31, 0]],
                                 erows_v.at[rb1], sem_e)

            @pl.when(g < ng - 2)
            def _():
                off2 = ebase + (g + 2) * S
                pltpu.async_copy(src_hbm.at[pl.ds(off2, S)],
                                 src_v.at[b32, 0], sem_i)
                pltpu.async_copy(dst_hbm.at[pl.ds(off2, S)],
                                 dst_v.at[b32, 0], sem_i)
                pltpu.async_copy(attr_hbm.at[pl.ds(off2, S)],
                                 attr_v.at[b32, 0], sem_i)

            @plsc.parallel_loop(0, S, 1, unroll=8)
            def body(i):
                for j in range(d // nl):
                    s = pl.ds(j * nl, nl)
                    v = rows_v[rb, i, s] + erows_v[rb, i, s]
                    rows_v[rb, i, s] = jnp.maximum(v, 0.0)

            pltpu.async_copy(rows_v.at[rb], aggr_sh.at[dst_v.at[b3, 0]],
                             sem_s, add=True)

            @pl.when(g < ng - 1)
            def _():
                pltpu.make_async_copy(x_hbm.at[src_v.at[b31, 0]],
                                      rows_v.at[rb1], sem_g).wait()
                pltpu.make_async_copy(emb_sh.at[attr_v.at[b31, 0]],
                                      erows_v.at[rb1], sem_e).wait()

            @pl.when(g < ng - 2)
            def _():
                off2 = ebase + (g + 2) * S
                pltpu.make_async_copy(src_hbm.at[pl.ds(off2, S)],
                                      src_v.at[b32, 0], sem_i).wait()
                pltpu.make_async_copy(dst_hbm.at[pl.ds(off2, S)],
                                      dst_v.at[b32, 0], sem_i).wait()
                pltpu.make_async_copy(attr_hbm.at[pl.ds(off2, S)],
                                      attr_v.at[b32, 0], sem_i).wait()
            return carry
        lax.fori_loop(0, ng, group, 0)
        pltpu.make_async_copy(rows_v.at[(ng - 1) % 2],
                              aggr_sh.at[dst_v.at[(ng - 1) % 3, 0]],
                              sem_s).wait()
        plsc.subcore_barrier()

        pltpu.sync_copy(aggr_sh.at[pl.ds(sid * ZR, ZR)],
                        out_hbm.at[cid, pl.ds(sid * ZR, ZR)])

        @pl.when(sid == ns - 1)
        def _():
            pltpu.sync_copy(aggr_sh.at[pl.ds(ns * ZR, tail)],
                            out_hbm.at[cid, pl.ds(ns * ZR, tail)])

    return k(x, src, dst, attr, emb)


def _tc_mlp(x, parts, eps_arr, W1, b1, gamma, beta, W2, b2, *, n, d, blk):
    nb = n // blk
    inv_n = 1.0 / n

    def kf(eps_ref, x_ref, parts_ref, w1_ref, b1_ref, g_ref, be_ref,
           w2_ref, b2_ref, o_ref, h1_scr, sums_scr):
        p = pl.program_id(0)
        i = pl.program_id(1)

        @pl.when(p == 0)
        def _():
            z = ((1.0 + eps_ref[0]) * x_ref[...]
                 + parts_ref[0] + parts_ref[1])
            h = jnp.dot(z, w1_ref[...], preferred_element_type=jnp.float32)
            h = h + b1_ref[...]
            h1_scr[pl.ds(i * blk, blk), :] = h

            @pl.when(i == 0)
            def _():
                sums_scr[...] = jnp.zeros_like(sums_scr)
            sums_scr[0:1, :] += jnp.sum(h, axis=0, keepdims=True)
            sums_scr[1:2, :] += jnp.sum(h * h, axis=0, keepdims=True)

        @pl.when(p == 1)
        def _():
            mu = sums_scr[0:1, :] * inv_n
            var = sums_scr[1:2, :] * inv_n - mu * mu
            a = g_ref[...] * lax.rsqrt(var + BN_EPS)
            c = be_ref[...] - mu * a
            h = jnp.maximum(h1_scr[pl.ds(i * blk, blk), :] * a + c, 0.0)
            o_ref[...] = (jnp.dot(h, w2_ref[...],
                                  preferred_element_type=jnp.float32)
                          + b2_ref[...])

    return pl.pallas_call(
        kf,
        grid=(2, nb),
        in_specs=[
            pl.BlockSpec(memory_space=pltpu.SMEM),
            pl.BlockSpec((blk, d), lambda p, i: ((1 - p) * i, 0)),
            pl.BlockSpec((2, blk, d), lambda p, i: (0, (1 - p) * i, 0)),
            pl.BlockSpec((d, d), lambda p, i: (0, 0)),
            pl.BlockSpec((1, d), lambda p, i: (0, 0)),
            pl.BlockSpec((1, d), lambda p, i: (0, 0)),
            pl.BlockSpec((1, d), lambda p, i: (0, 0)),
            pl.BlockSpec((d, d), lambda p, i: (0, 0)),
            pl.BlockSpec((1, d), lambda p, i: (0, 0)),
        ],
        out_specs=pl.BlockSpec((blk, d), lambda p, i: (i, 0)),
        out_shape=jax.ShapeDtypeStruct((n, d), jnp.float32),
        scratch_shapes=[
            pltpu.VMEM((n, d), jnp.float32),
            pltpu.VMEM((8, d), jnp.float32),
        ],
    )(eps_arr, x, parts, W1, b1, gamma, beta, W2, b2)


def kernel(x, edge_index, edge_attr, edge_emb_w, eps, W1, b1, gamma, beta,
           W2, b2):
    n, d = x.shape
    e = edge_attr.shape[0]
    src = edge_index[0]
    dst = edge_index[1]

    parts = _sc_aggregate(x, src, dst, edge_attr, edge_emb_w, n=n, e=e, d=d)

    blk = 2000
    eps_arr = jnp.reshape(eps, (1,)).astype(jnp.float32)
    out = _tc_mlp(x, parts, eps_arr, W1, jnp.reshape(b1, (1, d)),
                  jnp.reshape(gamma, (1, d)), jnp.reshape(beta, (1, d)),
                  W2, jnp.reshape(b2, (1, d)), n=n, d=d, blk=blk)
    return out

# --- scband reference (transcript-rebuilt; emitter-appended) ---
"""Pipeline reference for scband-ginelayer-53197464928897 (READ-ONLY COPY).

The authoritative reference and input builder live on the scoring server;
editing this copy changes nothing except your own understanding.
"""

import jax, jax.numpy as jnp
import numpy as np

N, E, D = 10000, 320000, 128
NUM_EDGE_EMB = 20
BN_EPS = 1e-5


def setup_inputs(seed: int = 0) -> dict:
    key = jax.random.key(seed)
    ks = jax.random.split(key, 12)
    x = jax.random.normal(ks[0], (N, D), dtype=jnp.float32)
    edge_index = jax.random.randint(ks[1], (2, E), 0, N, dtype=jnp.int32)
    edge_attr = jax.random.randint(ks[2], (E,), 0, NUM_EDGE_EMB, dtype=jnp.int32)
    # learned parameters
    glorot_emb = float(np.sqrt(6.0 / (NUM_EDGE_EMB + D)))
    edge_emb_w = jax.random.uniform(ks[3], (NUM_EDGE_EMB, D), dtype=jnp.float32, minval=-glorot_emb, maxval=glorot_emb)
    lim = float(np.sqrt(1.0 / D))
    W1 = jax.random.uniform(ks[4], (D, D), dtype=jnp.float32, minval=-lim, maxval=lim)
    b1 = jax.random.uniform(ks[5], (D,), dtype=jnp.float32, minval=-lim, maxval=lim)
    gamma = jnp.ones((D,), dtype=jnp.float32)
    beta = jnp.zeros((D,), dtype=jnp.float32)
    W2 = jax.random.uniform(ks[6], (D, D), dtype=jnp.float32, minval=-lim, maxval=lim)
    b2 = jax.random.uniform(ks[7], (D,), dtype=jnp.float32, minval=-lim, maxval=lim)
    eps = jnp.zeros((), dtype=jnp.float32)  # train_eps=True, init 0
    return {"x": x, "edge_index": edge_index, "edge_attr": edge_attr,
            "edge_emb_w": edge_emb_w, "eps": eps, "W1": W1, "b1": b1,
            "gamma": gamma, "beta": beta, "W2": W2, "b2": b2}


def reference(x, edge_index, edge_attr, edge_emb_w, eps, W1, b1, gamma, beta, W2, b2):
    src = edge_index[0]
    dst = edge_index[1]
    # edge embedding lookup (gather)
    e = jnp.take(edge_emb_w, edge_attr, axis=0)            # [E, D]
    # GINEConv message: ReLU(x_j + e), x_j = source node features (gather)
    msg = jax.nn.relu(jnp.take(x, src, axis=0) + e)        # [E, D]
    # scatter-add aggregation into destination nodes
    aggr = jax.ops.segment_sum(msg, dst, num_segments=x.shape[0])  # [N, D]
    h = (1.0 + eps) * x + aggr
    # MLP: Linear -> BatchNorm1d (training-mode batch stats) -> ReLU -> Linear
    h = h @ W1 + b1
    mu = jnp.mean(h, axis=0)
    var = jnp.var(h, axis=0)
    h = (h - mu) / jnp.sqrt(var + BN_EPS) * gamma + beta
    h = jax.nn.relu(h)
    out = h @ W2 + b2
    return out

if __name__ == "__main__":
    import jax
    _d = setup_inputs()
    print(jax.jit(kernel)(*tuple(_d.values())))

</pallas_src>

<mosaic_0001>
#map = affine_map<(d0, d1) -> (0, 0)>
#map1 = affine_map<(d0, d1) -> (0)>
#map2 = affine_map<(d0, d1) -> (0, 0, 0)>
module attributes {stable_mosaic.version = 14 : i64} {
  func.func @k(%arg0: i32, %arg1: i32, %arg2: memref<10000x128xf32, #tpu.memory_space<hbm>>, %arg3: memref<320000xi32, #tpu.memory_space<hbm>>, %arg4: memref<320000xi32, #tpu.memory_space<hbm>>, %arg5: memref<320000xi32, #tpu.memory_space<hbm>>, %arg6: memref<20x128xf32, #tpu.memory_space<hbm>>, %arg7: memref<2x10000x128xf32, #tpu.memory_space<hbm>>, %arg8: memref<3x1x80xi32, #tpu.memory_space<vmem>>, %arg9: memref<3x1x80xi32, #tpu.memory_space<vmem>>, %arg10: memref<3x1x80xi32, #tpu.memory_space<vmem>>, %arg11: memref<2x80x128xf32, #tpu.memory_space<vmem>>, %arg12: memref<2x80x128xf32, #tpu.memory_space<vmem>>, %arg13: memref<20x128xf32, #tpu.memory_space<vmem_shared>>, %arg14: memref<10000x128xf32, #tpu.memory_space<vmem_shared>>, %arg15: memref<!tpu.dma_semaphore, #tpu.memory_space<semaphore_mem>>, %arg16: memref<!tpu.dma_semaphore, #tpu.memory_space<semaphore_mem>>, %arg17: memref<!tpu.dma_semaphore, #tpu.memory_space<semaphore_mem>>, %arg18: memref<!tpu.dma_semaphore, #tpu.memory_space<semaphore_mem>>) attributes {dimension_semantics = [#tpu.dimension_semantics<core_parallel>, #tpu.dimension_semantics<subcore_parallel>], iteration_bounds = array<i64: 2, 16>, scalar_prefetch = 0 : i64, scratch_operands = 11 : i64, tpu.core_type = #tpu.core_type<sc_vector_subcore>, window_params = [{transform_indices = #map}, {transform_indices = #map1}, {transform_indices = #map1}, {transform_indices = #map1}, {transform_indices = #map}, {transform_indices = #map2}]} {
    %mul3A = arith.constant 2 : i32
    %mul3A_0 = arith.muli %arg1, %mul3A : i32
    %add3A = arith.addi %mul3A_0, %arg0 : i32
    %mul3A_1 = arith.constant 10000 : i32
    %mul3A_2 = arith.muli %add3A, %mul3A_1 : i32
    %eq3A = arith.constant 0 : i32
    %eq3A_3 = arith.cmpi eq, %arg1, %eq3A : i32
    %convert_element_type3A = arith.extui %eq3A_3 : i1 to i32
    %cond3A = arith.constant 0 : i32
    %cond3A_4 = arith.cmpi ne, %convert_element_type3A, %cond3A : i32
    scf.if %cond3A_4 {
      "tpu.region"() ({
        %run_scoped3A_136 = tpu.sem_alloc : memref<!tpu.dma_semaphore, #tpu.memory_space<semaphore_mem>>
        tpu.enqueue_dma source(%arg6 : memref<20x128xf32, #tpu.memory_space<hbm>>) target(%arg13 : memref<20x128xf32, #tpu.memory_space<vmem_shared>>) target_semaphore(%run_scoped3A_136 : memref<!tpu.dma_semaphore, #tpu.memory_space<semaphore_mem>>)
        tpu.wait_dma2 semaphore(%run_scoped3A_136 : memref<!tpu.dma_semaphore, #tpu.memory_space<semaphore_mem>>) src(%arg6 : memref<20x128xf32, #tpu.memory_space<hbm>>) dst(%arg13 : memref<20x128xf32, #tpu.memory_space<vmem_shared>>)
        tpu.yield
      }) : () -> ()
    } else {
    }
    %scan3A = arith.constant 0 : i32
    %scan3A_5 = arith.constant 0 : i32
    %scan3A_6 = arith.constant 80 : i32
    %scan3A_7 = arith.addi %scan3A_5, %scan3A_6 : i32
    %scan3A_8 = arith.constant 1 : i32
    scf.for %scan3A_136 = %scan3A_5 to %scan3A_7 step %scan3A_8  : i32 {
      %broadcast_in_dim3A = arith.constant 0.000000e+00 : f32
      %broadcast_in_dim3A_137 = vector.broadcast %broadcast_in_dim3A : f32 to vector<16xf32>
      %swap3A = arith.constant 0 : i32
      %swap3A_138 = arith.index_cast %swap3A : i32 to index
      %swap3A_139 = arith.index_cast %scan3A_136 : i32 to index
      %swap3A_140 = arith.constant 0 : index
      %swap3A_141 = tpu.vector_load %arg11[%swap3A_138, %swap3A_139, %swap3A_140] {strides = array<i32>} : memref<2x80x128xf32, #tpu.memory_space<vmem>>, vector<1x1x16xf32>,
      %swap3A_142 = vector.shape_cast %swap3A_141 : vector<1x1x16xf32> to vector<16xf32>
      %swap3A_143 = vector.shape_cast %broadcast_in_dim3A_137 : vector<16xf32> to vector<1x1x16xf32>
      tpu.vector_store %arg11[%swap3A_138, %swap3A_139, %swap3A_140], %swap3A_143 {strides = array<i32>} : memref<2x80x128xf32, #tpu.memory_space<vmem>>, vector<1x1x16xf32>,
      %broadcast_in_dim3A_144 = arith.constant 0.000000e+00 : f32
      %broadcast_in_dim3A_145 = vector.broadcast %broadcast_in_dim3A_144 : f32 to vector<16xf32>
      %swap3A_146 = arith.constant 0 : i32
      %swap3A_147 = arith.index_cast %swap3A_146 : i32 to index
      %swap3A_148 = arith.index_cast %scan3A_136 : i32 to index
      %swap3A_149 = arith.constant 16 : index
      %swap3A_150 = tpu.vector_load %arg11[%swap3A_147, %swap3A_148, %swap3A_149] {strides = array<i32>} : memref<2x80x128xf32, #tpu.memory_space<vmem>>, vector<1x1x16xf32>,
      %swap3A_151 = vector.shape_cast %swap3A_150 : vector<1x1x16xf32> to vector<16xf32>
      %swap3A_152 = vector.shape_cast %broadcast_in_dim3A_145 : vector<16xf32> to vector<1x1x16xf32>
      tpu.vector_store %arg11[%swap3A_147, %swap3A_148, %swap3A_149], %swap3A_152 {strides = array<i32>} : memref<2x80x128xf32, #tpu.memory_space<vmem>>, vector<1x1x16xf32>,
      %broadcast_in_dim3A_153 = arith.constant 0.000000e+00 : f32
      %broadcast_in_dim3A_154 = vector.broadcast %broadcast_in_dim3A_153 : f32 to vector<16xf32>
      %swap3A_155 = arith.constant 0 : i32
      %swap3A_156 = arith.index_cast %swap3A_155 : i32 to index
      %swap3A_157 = arith.index_cast %scan3A_136 : i32 to index
      %swap3A_158 = arith.constant 32 : index
      %swap3A_159 = tpu.vector_load %arg11[%swap3A_156, %swap3A_157, %swap3A_158] {strides = array<i32>} : memref<2x80x128xf32, #tpu.memory_space<vmem>>, vector<1x1x16xf32>,
      %swap3A_160 = vector.shape_cast %swap3A_159 : vector<1x1x16xf32> to vector<16xf32>
      %swap3A_161 = vector.shape_cast %broadcast_in_dim3A_154 : vector<16xf32> to vector<1x1x16xf32>
      tpu.vector_store %arg11[%swap3A_156, %swap3A_157, %swap3A_158], %swap3A_161 {strides = array<i32>} : memref<2x80x128xf32, #tpu.memory_space<vmem>>, vector<1x1x16xf32>,
      %broadcast_in_dim3A_162 = arith.constant 0.000000e+00 : f32
      %broadcast_in_dim3A_163 = vector.broadcast %broadcast_in_dim3A_162 : f32 to vector<16xf32>
      %swap3A_164 = arith.constant 0 : i32
      %swap3A_165 = arith.index_cast %swap3A_164 : i32 to index
      %swap3A_166 = arith.index_cast %scan3A_136 : i32 to index
      %swap3A_167 = arith.constant 48 : index
      %swap3A_168 = tpu.vector_load %arg11[%swap3A_165, %swap3A_166, %swap3A_167] {strides = array<i32>} : memref<2x80x128xf32, #tpu.memory_space<vmem>>, vector<1x1x16xf32>,
      %swap3A_169 = vector.shape_cast %swap3A_168 : vector<1x1x16xf32> to vector<16xf32>
      %swap3A_170 = vector.shape_cast %broadcast_in_dim3A_163 : vector<16xf32> to vector<1x1x16xf32>
      tpu.vector_store %arg11[%swap3A_165, %swap3A_166, %swap3A_167], %swap3A_170 {strides = array<i32>} : memref<2x80x128xf32, #tpu.memory_space<vmem>>, vector<1x1x16xf32>,
      %broadcast_in_dim3A_171 = arith.constant 0.000000e+00 : f32
      %broadcast_in_dim3A_172 = vector.broadcast %broadcast_in_dim3A_171 : f32 to vector<16xf32>
      %swap3A_173 = arith.constant 0 : i32
      %swap3A_174 = arith.index_cast %swap3A_173 : i32 to index
      %swap3A_175 = arith.index_cast %scan3A_136 : i32 to index
      %swap3A_176 = arith.constant 64 : index
      %swap3A_177 = tpu.vector_load %arg11[%swap3A_174, %swap3A_175, %swap3A_176] {strides = array<i32>} : memref<2x80x128xf32, #tpu.memory_space<vmem>>, vector<1x1x16xf32>,
      %swap3A_178 = vector.shape_cast %swap3A_177 : vector<1x1x16xf32> to vector<16xf32>
      %swap3A_179 = vector.shape_cast %broadcast_in_dim3A_172 : vector<16xf32> to vector<1x1x16xf32>
      tpu.vector_store %arg11[%swap3A_174, %swap3A_175, %swap3A_176], %swap3A_179 {strides = array<i32>} : memref<2x80x128xf32, #tpu.memory_space<vmem>>, vector<1x1x16xf32>,
      %broadcast_in_dim3A_180 = arith.constant 0.000000e+00 : f32
      %broadcast_in_dim3A_181 = vector.broadcast %broadcast_in_dim3A_180 : f32 to vector<16xf32>
      %swap3A_182 = arith.constant 0 : i32
      %swap3A_183 = arith.index_cast %swap3A_182 : i32 to index
      %swap3A_184 = arith.index_cast %scan3A_136 : i32 to index
      %swap3A_185 = arith.constant 80 : index
      %swap3A_186 = tpu.vector_load %arg11[%swap3A_183, %swap3A_184, %swap3A_185] {strides = array<i32>} : memref<2x80x128xf32, #tpu.memory_space<vmem>>, vector<1x1x16xf32>,
      %swap3A_187 = vector.shape_cast %swap3A_186 : vector<1x1x16xf32> to vector<16xf32>
      %swap3A_188 = vector.shape_cast %broadcast_in_dim3A_181 : vector<16xf32> to vector<1x1x16xf32>
      tpu.vector_store %arg11[%swap3A_183, %swap3A_184, %swap3A_185], %swap3A_188 {strides = array<i32>} : memref<2x80x128xf32, #tpu.memory_space<vmem>>, vector<1x1x16xf32>,
      %broadcast_in_dim3A_189 = arith.constant 0.000000e+00 : f32
      %broadcast_in_dim3A_190 = vector.broadcast %broadcast_in_dim3A_189 : f32 to vector<16xf32>
      %swap3A_191 = arith.constant 0 : i32
      %swap3A_192 = arith.index_cast %swap3A_191 : i32 to index
      %swap3A_193 = arith.index_cast %scan3A_136 : i32 to index
      %swap3A_194 = arith.constant 96 : index
      %swap3A_195 = tpu.vector_load %arg11[%swap3A_192, %swap3A_193, %swap3A_194] {strides = array<i32>} : memref<2x80x128xf32, #tpu.memory_space<vmem>>, vector<1x1x16xf32>,
      %swap3A_196 = vector.shape_cast %swap3A_195 : vector<1x1x16xf32> to vector<16xf32>
      %swap3A_197 = vector.shape_cast %broadcast_in_dim3A_190 : vector<16xf32> to vector<1x1x16xf32>
      tpu.vector_store %arg11[%swap3A_192, %swap3A_193, %swap3A_194], %swap3A_197 {strides = array<i32>} : memref<2x80x128xf32, #tpu.memory_space<vmem>>, vector<1x1x16xf32>,
      %broadcast_in_dim3A_198 = arith.constant 0.000000e+00 : f32
      %broadcast_in_dim3A_199 = vector.broadcast %broadcast_in_dim3A_198 : f32 to vector<16xf32>
      %swap3A_200 = arith.constant 0 : i32
      %swap3A_201 = arith.index_cast %swap3A_200 : i32 to index
      %swap3A_202 = arith.index_cast %scan3A_136 : i32 to index
      %swap3A_203 = arith.constant 112 : index
      %swap3A_204 = tpu.vector_load %arg11[%swap3A_201, %swap3A_202, %swap3A_203] {strides = array<i32>} : memref<2x80x128xf32, #tpu.memory_space<vmem>>, vector<1x1x16xf32>,
      %swap3A_205 = vector.shape_cast %swap3A_204 : vector<1x1x16xf32> to vector<16xf32>
      %swap3A_206 = vector.shape_cast %broadcast_in_dim3A_199 : vector<16xf32> to vector<1x1x16xf32>
      tpu.vector_store %arg11[%swap3A_201, %swap3A_202, %swap3A_203], %swap3A_206 {strides = array<i32>} : memref<2x80x128xf32, #tpu.memory_space<vmem>>, vector<1x1x16xf32>,
    }
    %scan3A_9 = arith.constant 80 : i32
    %mul3A_10 = arith.constant 624 : i32
    %mul3A_11 = arith.muli %arg1, %mul3A_10 : i32
    %add3A_12 = arith.constant 0 : i32
    %add3A_13 = arith.addi %mul3A_11, %add3A_12 : i32
    %run_scoped3A = arith.constant 0 : i32
    "tpu.region"() ({
      %run_scoped3A_136 = tpu.sem_alloc : memref<!tpu.dma_semaphore, #tpu.memory_space<semaphore_mem>>
      %dma_start3A_137 = arith.constant 0 : i32
      %dma_start3A_138 = arith.constant 0 : i32
      %dma_start3A_139 = tpu.memref_slice %arg11[%run_scoped3A, %dma_start3A_137, %dma_start3A_138] : memref<2x80x128xf32, #tpu.memory_space<vmem>> -> memref<1x80x128xf32, #tpu.memory_space<vmem>>
      %dma_start3A_140 = tpu.memref_squeeze %dma_start3A_139 : memref<1x80x128xf32, #tpu.memory_space<vmem>> -> memref<80x128xf32, #tpu.memory_space<vmem>>
      %dma_start3A_141 = arith.constant 0 : i32
      %dma_start3A_142 = tpu.memref_slice %arg14[%add3A_13, %dma_start3A_141] : memref<10000x128xf32, #tpu.memory_space<vmem_shared>> -> memref<80x128xf32, #tpu.memory_space<vmem_shared>>
      %dma_start3A_143 = arith.constant 0 : i32
      %dma_start3A_144 = tpu.memref_slice %arg14[%add3A_13, %dma_start3A_143] : memref<10000x128xf32, #tpu.memory_space<vmem_shared>> -> memref<80x128xf32, #tpu.memory_space<vmem_shared>>
      %dma_start3A_145 = arith.constant 0 : i32
      %dma_start3A_146 = arith.constant 0 : i32
      %dma_start3A_147 = tpu.memref_slice %arg11[%run_scoped3A, %dma_start3A_145, %dma_start3A_146] : memref<2x80x128xf32, #tpu.memory_space<vmem>> -> memref<1x80x128xf32, #tpu.memory_space<vmem>>
      %dma_start3A_148 = tpu.memref_squeeze %dma_start3A_147 : memref<1x80x128xf32, #tpu.memory_space<vmem>> -> memref<80x128xf32, #tpu.memory_space<vmem>>
      tpu.enqueue_dma source(%dma_start3A_148 : memref<80x128xf32, #tpu.memory_space<vmem>>) target(%dma_start3A_144 : memref<80x128xf32, #tpu.memory_space<vmem_shared>>) target_semaphore(%run_scoped3A_136 : memref<!tpu.dma_semaphore, #tpu.memory_space<semaphore_mem>>)
      %dma_wait3A_149 = arith.constant 0 : i32
      %dma_wait3A_150 = arith.constant 0 : i32
      %dma_wait3A_151 = tpu.memref_slice %arg11[%run_scoped3A, %dma_wait3A_149, %dma_wait3A_150] : memref<2x80x128xf32, #tpu.memory_space<vmem>> -> memref<1x80x128xf32, #tpu.memory_space<vmem>>
      %dma_wait3A_152 = tpu.memref_squeeze %dma_wait3A_151 : memref<1x80x128xf32, #tpu.memory_space<vmem>> -> memref<80x128xf32, #tpu.memory_space<vmem>>
      %dma_wait3A_153 = arith.constant 0 : i32
      %dma_wait3A_154 = tpu.memref_slice %arg14[%add3A_13, %dma_wait3A_153] : memref<10000x128xf32, #tpu.memory_space<vmem_shared>> -> memref<80x128xf32, #tpu.memory_space<vmem_shared>>
      %dma_wait3A_155 = arith.constant 0 : i32
      %dma_wait3A_156 = tpu.memref_slice %arg14[%add3A_13, %dma_wait3A_155] : memref<10000x128xf32, #tpu.memory_space<vmem_shared>> -> memref<80x128xf32, #tpu.memory_space<vmem_shared>>
      %dma_wait3A_157 = arith.constant 0 : i32
      %dma_wait3A_158 = arith.constant 0 : i32
      %dma_wait3A_159 = tpu.memref_slice %arg11[%run_scoped3A, %dma_wait3A_157, %dma_wait3A_158] : memref<2x80x128xf32, #tpu.memory_space<vmem>> -> memref<1x80x128xf32, #tpu.memory_space<vmem>>
      %dma_wait3A_160 = tpu.memref_squeeze %dma_wait3A_159 : memref<1x80x128xf32, #tpu.memory_space<vmem>> -> memref<80x128xf32, #tpu.memory_space<vmem>>
      tpu.wait_dma2 semaphore(%run_scoped3A_136 : memref<!tpu.dma_semaphore, #tpu.memory_space<semaphore_mem>>) src(%dma_wait3A_160 : memref<80x128xf32, #tpu.memory_space<vmem>>) dst(%dma_wait3A_156 : memref<80x128xf32, #tpu.memory_space<vmem_shared>>)
      tpu.yield
    }) : () -> ()
    %add3A_14 = arith.constant 80 : i32
    %add3A_15 = arith.addi %mul3A_11, %add3A_14 : i32
    %run_scoped3A_16 = arith.constant 0 : i32
    "tpu.region"() ({
      %run_scoped3A_136 = tpu.sem_alloc : memref<!tpu.dma_semaphore, #tpu.memory_space<semaphore_mem>>
      %dma_start3A_137 = arith.constant 0 : i32
      %dma_start3A_138 = arith.constant 0 : i32
      %dma_start3A_139 = tpu.memref_slice %arg11[%run_scoped3A_16, %dma_start3A_137, %dma_start3A_138] : memref<2x80x128xf32, #tpu.memory_space<vmem>> -> memref<1x80x128xf32, #tpu.memory_space<vmem>>
      %dma_start3A_140 = tpu.memref_squeeze %dma_start3A_139 : memref<1x80x128xf32, #tpu.memory_space<vmem>> -> memref<80x128xf32, #tpu.memory_space<vmem>>
      %dma_start3A_141 = arith.constant 0 : i32
      %dma_start3A_142 = tpu.memref_slice %arg14[%add3A_15, %dma_start3A_141] : memref<10000x128xf32, #tpu.memory_space<vmem_shared>> -> memref<80x128xf32, #tpu.memory_space<vmem_shared>>
      %dma_start3A_143 = arith.constant 0 : i32
      %dma_start3A_144 = tpu.memref_slice %arg14[%add3A_15, %dma_start3A_143] : memref<10000x128xf32, #tpu.memory_space<vmem_shared>> -> memref<80x128xf32, #tpu.memory_space<vmem_shared>>
      %dma_start3A_145 = arith.constant 0 : i32
      %dma_start3A_146 = arith.constant 0 : i32
      %dma_start3A_147 = tpu.memref_slice %arg11[%run_scoped3A_16, %dma_start3A_145, %dma_start3A_146] : memref<2x80x128xf32, #tpu.memory_space<vmem>> -> memref<1x80x128xf32, #tpu.memory_space<vmem>>
      %dma_start3A_148 = tpu.memref_squeeze %dma_start3A_147 : memref<1x80x128xf32, #tpu.memory_space<vmem>> -> memref<80x128xf32, #tpu.memory_space<vmem>>
      tpu.enqueue_dma source(%dma_start3A_148 : memref<80x128xf32, #tpu.memory_space<vmem>>) target(%dma_start3A_144 : memref<80x128xf32, #tpu.memory_space<vmem_shared>>) target_semaphore(%run_scoped3A_136 : memref<!tpu.dma_semaphore, #tpu.memory_space<semaphore_mem>>)
      %dma_wait3A_149 = arith.constant 0 : i32
      %dma_wait3A_150 = arith.constant 0 : i32
      %dma_wait3A_151 = tpu.memref_slice %arg11[%run_scoped3A_16, %dma_wait3A_149, %dma_wait3A_150] : memref<2x80x128xf32, #tpu.memory_space<vmem>> -> memref<1x80x128xf32, #tpu.memory_space<vmem>>
      %dma_wait3A_152 = tpu.memref_squeeze %dma_wait3A_151 : memref<1x80x128xf32, #tpu.memory_space<vmem>> -> memref<80x128xf32, #tpu.memory_space<vmem>>
      %dma_wait3A_153 = arith.constant 0 : i32
      %dma_wait3A_154 = tpu.memref_slice %arg14[%add3A_15, %dma_wait3A_153] : memref<10000x128xf32, #tpu.memory_space<vmem_shared>> -> memref<80x128xf32, #tpu.memory_space<vmem_shared>>
      %dma_wait3A_155 = arith.constant 0 : i32
      %dma_wait3A_156 = tpu.memref_slice %arg14[%add3A_15, %dma_wait3A_155] : memref<10000x128xf32, #tpu.memory_space<vmem_shared>> -> memref<80x128xf32, #tpu.memory_space<vmem_shared>>
      %dma_wait3A_157 = arith.constant 0 : i32
      %dma_wait3A_158 = arith.constant 0 : i32
      %dma_wait3A_159 = tpu.memref_slice %arg11[%run_scoped3A_16, %dma_wait3A_157, %dma_wait3A_158] : memref<2x80x128xf32, #tpu.memory_space<vmem>> -> memref<1x80x128xf32, #tpu.memory_space<vmem>>
      %dma_wait3A_160 = tpu.memref_squeeze %dma_wait3A_159 : memref<1x80x128xf32, #tpu.memory_space<vmem>> -> memref<80x128xf32, #tpu.memory_space<vmem>>
      tpu.wait_dma2 semaphore(%run_scoped3A_136 : memref<!tpu.dma_semaphore, #tpu.memory_space<semaphore_mem>>) src(%dma_wait3A_160 : memref<80x128xf32, #tpu.memory_space<vmem>>) dst(%dma_wait3A_156 : memref<80x128xf32, #tpu.memory_space<vmem_shared>>)
      tpu.yield
    }) : () -> ()
    %add3A_17 = arith.constant 160 : i32
    %add3A_18 = arith.addi %mul3A_11, %add3A_17 : i32
    %run_scoped3A_19 = arith.constant 0 : i32
    "tpu.region"() ({
      %run_scoped3A_136 = tpu.sem_alloc : memref<!tpu.dma_semaphore, #tpu.memory_space<semaphore_mem>>
      %dma_start3A_137 = arith.constant 0 : i32
      %dma_start3A_138 = arith.constant 0 : i32
      %dma_start3A_139 = tpu.memref_slice %arg11[%run_scoped3A_19, %dma_start3A_137, %dma_start3A_138] : memref<2x80x128xf32, #tpu.memory_space<vmem>> -> memref<1x80x128xf32, #tpu.memory_space<vmem>>
      %dma_start3A_140 = tpu.memref_squeeze %dma_start3A_139 : memref<1x80x128xf32, #tpu.memory_space<vmem>> -> memref<80x128xf32, #tpu.memory_space<vmem>>
      %dma_start3A_141 = arith.constant 0 : i32
      %dma_start3A_142 = tpu.memref_slice %arg14[%add3A_18, %dma_start3A_141] : memref<10000x128xf32, #tpu.memory_space<vmem_shared>> -> memref<80x128xf32, #tpu.memory_space<vmem_shared>>
      %dma_start3A_143 = arith.constant 0 : i32
      %dma_start3A_144 = tpu.memref_slice %arg14[%add3A_18, %dma_start3A_143] : memref<10000x128xf32, #tpu.memory_space<vmem_shared>> -> memref<80x128xf32, #tpu.memory_space<vmem_shared>>
      %dma_start3A_145 = arith.constant 0 : i32
      %dma_start3A_146 = arith.constant 0 : i32
      %dma_start3A_147 = tpu.memref_slice %arg11[%run_scoped3A_19, %dma_start3A_145, %dma_start3A_146] : memref<2x80x128xf32, #tpu.memory_space<vmem>> -> memref<1x80x128xf32, #tpu.memory_space<vmem>>
      %dma_start3A_148 = tpu.memref_squeeze %dma_start3A_147 : memref<1x80x128xf32, #tpu.memory_space<vmem>> -> memref<80x128xf32, #tpu.memory_space<vmem>>
      tpu.enqueue_dma source(%dma_start3A_148 : memref<80x128xf32, #tpu.memory_space<vmem>>) target(%dma_start3A_144 : memref<80x128xf32, #tpu.memory_space<vmem_shared>>) target_semaphore(%run_scoped3A_136 : memref<!tpu.dma_semaphore, #tpu.memory_space<semaphore_mem>>)
      %dma_wait3A_149 = arith.constant 0 : i32
      %dma_wait3A_150 = arith.constant 0 : i32
      %dma_wait3A_151 = tpu.memref_slice %arg11[%run_scoped3A_19, %dma_wait3A_149, %dma_wait3A_150] : memref<2x80x128xf32, #tpu.memory_space<vmem>> -> memref<1x80x128xf32, #tpu.memory_space<vmem>>
      %dma_wait3A_152 = tpu.memref_squeeze %dma_wait3A_151 : memref<1x80x128xf32, #tpu.memory_space<vmem>> -> memref<80x128xf32, #tpu.memory_space<vmem>>
      %dma_wait3A_153 = arith.constant 0 : i32
      %dma_wait3A_154 = tpu.memref_slice %arg14[%add3A_18, %dma_wait3A_153] : memref<10000x128xf32, #tpu.memory_space<vmem_shared>> -> memref<80x128xf32, #tpu.memory_space<vmem_shared>>
      %dma_wait3A_155 = arith.constant 0 : i32
      %dma_wait3A_156 = tpu.memref_slice %arg14[%add3A_18, %dma_wait3A_155] : memref<10000x128xf32, #tpu.memory_space<vmem_shared>> -> memref<80x128xf32, #tpu.memory_space<vmem_shared>>
      %dma_wait3A_157 = arith.constant 0 : i32
      %dma_wait3A_158 = arith.constant 0 : i32
      %dma_wait3A_159 = tpu.memref_slice %arg11[%run_scoped3A_19, %dma_wait3A_157, %dma_wait3A_158] : memref<2x80x128xf32, #tpu.memory_space<vmem>> -> memref<1x80x128xf32, #tpu.memory_space<vmem>>
      %dma_wait3A_160 = tpu.memref_squeeze %dma_wait3A_159 : memref<1x80x128xf32, #tpu.memory_space<vmem>> -> memref<80x128xf32, #tpu.memory_space<vmem>>
      tpu.wait_dma2 semaphore(%run_scoped3A_136 : memref<!tpu.dma_semaphore, #tpu.memory_space<semaphore_mem>>) src(%dma_wait3A_160 : memref<80x128xf32, #tpu.memory_space<vmem>>) dst(%dma_wait3A_156 : memref<80x128xf32, #tpu.memory_space<vmem_shared>>)
      tpu.yield
    }) : () -> ()
    %add3A_20 = arith.constant 240 : i32
    %add3A_21 = arith.addi %mul3A_11, %add3A_20 : i32
    %run_scoped3A_22 = arith.constant 0 : i32
    "tpu.region"() ({
      %run_scoped3A_136 = tpu.sem_alloc : memref<!tpu.dma_semaphore, #tpu.memory_space<semaphore_mem>>
      %dma_start3A_137 = arith.constant 0 : i32
      %dma_start3A_138 = arith.constant 0 : i32
      %dma_start3A_139 = tpu.memref_slice %arg11[%run_scoped3A_22, %dma_start3A_137, %dma_start3A_138] : memref<2x80x128xf32, #tpu.memory_space<vmem>> -> memref<1x80x128xf32, #tpu.memory_space<vmem>>
      %dma_start3A_140 = tpu.memref_squeeze %dma_start3A_139 : memref<1x80x128xf32, #tpu.memory_space<vmem>> -> memref<80x128xf32, #tpu.memory_space<vmem>>
      %dma_start3A_141 = arith.constant 0 : i32
      %dma_start3A_142 = tpu.memref_slice %arg14[%add3A_21, %dma_start3A_141] : memref<10000x128xf32, #tpu.memory_space<vmem_shared>> -> memref<80x128xf32, #tpu.memory_space<vmem_shared>>
      %dma_start3A_143 = arith.constant 0 : i32
      %dma_start3A_144 = tpu.memref_slice %arg14[%add3A_21, %dma_start3A_143] : memref<10000x128xf32, #tpu.memory_space<vmem_shared>> -> memref<80x128xf32, #tpu.memory_space<vmem_shared>>
      %dma_start3A_145 = arith.constant 0 : i32
      %dma_start3A_146 = arith.constant 0 : i32
      %dma_start3A_147 = tpu.memref_slice %arg11[%run_scoped3A_22, %dma_start3A_145, %dma_start3A_146] : memref<2x80x128xf32, #tpu.memory_space<vmem>> -> memref<1x80x128xf32, #tpu.memory_space<vmem>>
      %dma_start3A_148 = tpu.memref_squeeze %dma_start3A_147 : memref<1x80x128xf32, #tpu.memory_space<vmem>> -> memref<80x128xf32, #tpu.memory_space<vmem>>
      tpu.enqueue_dma source(%dma_start3A_148 : memref<80x128xf32, #tpu.memory_space<vmem>>) target(%dma_start3A_144 : memref<80x128xf32, #tpu.memory_space<vmem_shared>>) target_semaphore(%run_scoped3A_136 : memref<!tpu.dma_semaphore, #tpu.memory_space<semaphore_mem>>)
      %dma_wait3A_149 = arith.constant 0 : i32
      %dma_wait3A_150 = arith.constant 0 : i32
      %dma_wait3A_151 = tpu.memref_slice %arg11[%run_scoped3A_22, %dma_wait3A_149, %dma_wait3A_150] : memref<2x80x128xf32, #tpu.memory_space<vmem>> -> memref<1x80x128xf32, #tpu.memory_space<vmem>>
      %dma_wait3A_152 = tpu.memref_squeeze %dma_wait3A_151 : memref<1x80x128xf32, #tpu.memory_space<vmem>> -> memref<80x128xf32, #tpu.memory_space<vmem>>
      %dma_wait3A_153 = arith.constant 0 : i32
      %dma_wait3A_154 = tpu.memref_slice %arg14[%add3A_21, %dma_wait3A_153] : memref<10000x128xf32, #tpu.memory_space<vmem_shared>> -> memref<80x128xf32, #tpu.memory_space<vmem_shared>>
      %dma_wait3A_155 = arith.constant 0 : i32
      %dma_wait3A_156 = tpu.memref_slice %arg14[%add3A_21, %dma_wait3A_155] : memref<10000x128xf32, #tpu.memory_space<vmem_shared>> -> memref<80x128xf32, #tpu.memory_space<vmem_shared>>
      %dma_wait3A_157 = arith.constant 0 : i32
      %dma_wait3A_158 = arith.constant 0 : i32
      %dma_wait3A_159 = tpu.memref_slice %arg11[%run_scoped3A_22, %dma_wait3A_157, %dma_wait3A_158] : memref<2x80x128xf32, #tpu.memory_space<vmem>> -> memref<1x80x128xf32, #tpu.memory_space<vmem>>
      %dma_wait3A_160 = tpu.memref_squeeze %dma_wait3A_159 : memref<1x80x128xf32, #tpu.memory_space<vmem>> -> memref<80x128xf32, #tpu.memory_space<vmem>>
      tpu.wait_dma2 semaphore(%run_scoped3A_136 : memref<!tpu.dma_semaphore, #tpu.memory_space<semaphore_mem>>) src(%dma_wait3A_160 : memref<80x128xf32, #tpu.memory_space<vmem>>) dst(%dma_wait3A_156 : memref<80x128xf32, #tpu.memory_space<vmem_shared>>)
      tpu.yield
    }) : () -> ()
    %add3A_23 = arith.constant 320 : i32
    %add3A_24 = arith.addi %mul3A_11, %add3A_23 : i32
    %run_scoped3A_25 = arith.constant 0 : i32
    "tpu.region"() ({
      %run_scoped3A_136 = tpu.sem_alloc : memref<!tpu.dma_semaphore, #tpu.memory_space<semaphore_mem>>
      %dma_start3A_137 = arith.constant 0 : i32
      %dma_start3A_138 = arith.constant 0 : i32
      %dma_start3A_139 = tpu.memref_slice %arg11[%run_scoped3A_25, %dma_start3A_137, %dma_start3A_138] : memref<2x80x128xf32, #tpu.memory_space<vmem>> -> memref<1x80x128xf32, #tpu.memory_space<vmem>>
      %dma_start3A_140 = tpu.memref_squeeze %dma_start3A_139 : memref<1x80x128xf32, #tpu.memory_space<vmem>> -> memref<80x128xf32, #tpu.memory_space<vmem>>
      %dma_start3A_141 = arith.constant 0 : i32
      %dma_start3A_142 = tpu.memref_slice %arg14[%add3A_24, %dma_start3A_141] : memref<10000x128xf32, #tpu.memory_space<vmem_shared>> -> memref<80x128xf32, #tpu.memory_space<vmem_shared>>
      %dma_start3A_143 = arith.constant 0 : i32
      %dma_start3A_144 = tpu.memref_slice %arg14[%add3A_24, %dma_start3A_143] : memref<10000x128xf32, #tpu.memory_space<vmem_shared>> -> memref<80x128xf32, #tpu.memory_space<vmem_shared>>
      %dma_start3A_145 = arith.constant 0 : i32
      %dma_start3A_146 = arith.constant 0 : i32
      %dma_start3A_147 = tpu.memref_slice %arg11[%run_scoped3A_25, %dma_start3A_145, %dma_start3A_146] : memref<2x80x128xf32, #tpu.memory_space<vmem>> -> memref<1x80x128xf32, #tpu.memory_space<vmem>>
      %dma_start3A_148 = tpu.memref_squeeze %dma_start3A_147 : memref<1x80x128xf32, #tpu.memory_space<vmem>> -> memref<80x128xf32, #tpu.memory_space<vmem>>
      tpu.enqueue_dma source(%dma_start3A_148 : memref<80x128xf32, #tpu.memory_space<vmem>>) target(%dma_start3A_144 : memref<80x128xf32, #tpu.memory_space<vmem_shared>>) target_semaphore(%run_scoped3A_136 : memref<!tpu.dma_semaphore, #tpu.memory_space<semaphore_mem>>)
      %dma_wait3A_149 = arith.constant 0 : i32
      %dma_wait3A_150 = arith.constant 0 : i32
      %dma_wait3A_151 = tpu.memref_slice %arg11[%run_scoped3A_25, %dma_wait3A_149, %dma_wait3A_150] : memref<2x80x128xf32, #tpu.memory_space<vmem>> -> memref<1x80x128xf32, #tpu.memory_space<vmem>>
      %dma_wait3A_152 = tpu.memref_squeeze %dma_wait3A_151 : memref<1x80x128xf32, #tpu.memory_space<vmem>> -> memref<80x128xf32, #tpu.memory_space<vmem>>
      %dma_wait3A_153 = arith.constant 0 : i32
      %dma_wait3A_154 = tpu.memref_slice %arg14[%add3A_24, %dma_wait3A_153] : memref<10000x128xf32, #tpu.memory_space<vmem_shared>> -> memref<80x128xf32, #tpu.memory_space<vmem_shared>>
      %dma_wait3A_155 = arith.constant 0 : i32
      %dma_wait3A_156 = tpu.memref_slice %arg14[%add3A_24, %dma_wait3A_155] : memref<10000x128xf32, #tpu.memory_space<vmem_shared>> -> memref<80x128xf32, #tpu.memory_space<vmem_shared>>
      %dma_wait3A_157 = arith.constant 0 : i32
      %dma_wait3A_158 = arith.constant 0 : i32
      %dma_wait3A_159 = tpu.memref_slice %arg11[%run_scoped3A_25, %dma_wait3A_157, %dma_wait3A_158] : memref<2x80x128xf32, #tpu.memory_space<vmem>> -> memref<1x80x128xf32, #tpu.memory_space<vmem>>
      %dma_wait3A_160 = tpu.memref_squeeze %dma_wait3A_159 : memref<1x80x128xf32, #tpu.memory_space<vmem>> -> memref<80x128xf32, #tpu.memory_space<vmem>>
      tpu.wait_dma2 semaphore(%run_scoped3A_136 : memref<!tpu.dma_semaphore, #tpu.memory_space<semaphore_mem>>) src(%dma_wait3A_160 : memref<80x128xf32, #tpu.memory_space<vmem>>) dst(%dma_wait3A_156 : memref<80x128xf32, #tpu.memory_space<vmem_shared>>)
      tpu.yield
    }) : () -> ()
    %add3A_26 = arith.constant 400 : i32
    %add3A_27 = arith.addi %mul3A_11, %add3A_26 : i32
    %run_scoped3A_28 = arith.constant 0 : i32
    "tpu.region"() ({
      %run_scoped3A_136 = tpu.sem_alloc : memref<!tpu.dma_semaphore, #tpu.memory_space<semaphore_mem>>
      %dma_start3A_137 = arith.constant 0 : i32
      %dma_start3A_138 = arith.constant 0 : i32
      %dma_start3A_139 = tpu.memref_slice %arg11[%run_scoped3A_28, %dma_start3A_137, %dma_start3A_138] : memref<2x80x128xf32, #tpu.memory_space<vmem>> -> memref<1x80x128xf32, #tpu.memory_space<vmem>>
      %dma_start3A_140 = tpu.memref_squeeze %dma_start3A_139 : memref<1x80x128xf32, #tpu.memory_space<vmem>> -> memref<80x128xf32, #tpu.memory_space<vmem>>
      %dma_start3A_141 = arith.constant 0 : i32
      %dma_start3A_142 = tpu.memref_slice %arg14[%add3A_27, %dma_start3A_141] : memref<10000x128xf32, #tpu.memory_space<vmem_shared>> -> memref<80x128xf32, #tpu.memory_space<vmem_shared>>
      %dma_start3A_143 = arith.constant 0 : i32
      %dma_start3A_144 = tpu.memref_slice %arg14[%add3A_27, %dma_start3A_143] : memref<10000x128xf32, #tpu.memory_space<vmem_shared>> -> memref<80x128xf32, #tpu.memory_space<vmem_shared>>
      %dma_start3A_145 = arith.constant 0 : i32
      %dma_start3A_146 = arith.constant 0 : i32
      %dma_start3A_147 = tpu.memref_slice %arg11[%run_scoped3A_28, %dma_start3A_145, %dma_start3A_146] : memref<2x80x128xf32, #tpu.memory_space<vmem>> -> memref<1x80x128xf32, #tpu.memory_space<vmem>>
      %dma_start3A_148 = tpu.memref_squeeze %dma_start3A_147 : memref<1x80x128xf32, #tpu.memory_space<vmem>> -> memref<80x128xf32, #tpu.memory_space<vmem>>
      tpu.enqueue_dma source(%dma_start3A_148 : memref<80x128xf32, #tpu.memory_space<vmem>>) target(%dma_start3A_144 : memref<80x128xf32, #tpu.memory_space<vmem_shared>>) target_semaphore(%run_scoped3A_136 : memref<!tpu.dma_semaphore, #tpu.memory_space<semaphore_mem>>)
      %dma_wait3A_149 = arith.constant 0 : i32
      %dma_wait3A_150 = arith.constant 0 : i32
      %dma_wait3A_151 = tpu.memref_slice %arg11[%run_scoped3A_28, %dma_wait3A_149, %dma_wait3A_150] : memref<2x80x128xf32, #tpu.memory_space<vmem>> -> memref<1x80x128xf32, #tpu.memory_space<vmem>>
      %dma_wait3A_152 = tpu.memref_squeeze %dma_wait3A_151 : memref<1x80x128xf32, #tpu.memory_space<vmem>> -> memref<80x128xf32, #tpu.memory_space<vmem>>
      %dma_wait3A_153 = arith.constant 0 : i32
      %dma_wait3A_154 = tpu.memref_slice %arg14[%add3A_27, %dma_wait3A_153] : memref<10000x128xf32, #tpu.memory_space<vmem_shared>> -> memref<80x128xf32, #tpu.memory_space<vmem_shared>>
      %dma_wait3A_155 = arith.constant 0 : i32
      %dma_wait3A_156 = tpu.memref_slice %arg14[%add3A_27, %dma_wait3A_155] : memref<10000x128xf32, #tpu.memory_space<vmem_shared>> -> memref<80x128xf32, #tpu.memory_space<vmem_shared>>
      %dma_wait3A_157 = arith.constant 0 : i32
      %dma_wait3A_158 = arith.constant 0 : i32
      %dma_wait3A_159 = tpu.memref_slice %arg11[%run_scoped3A_28, %dma_wait3A_157, %dma_wait3A_158] : memref<2x80x128xf32, #tpu.memory_space<vmem>> -> memref<1x80x128xf32, #tpu.memory_space<vmem>>
      %dma_wait3A_160 = tpu.memref_squeeze %dma_wait3A_159 : memref<1x80x128xf32, #tpu.memory_space<vmem>> -> memref<80x128xf32, #tpu.memory_space<vmem>>
      tpu.wait_dma2 semaphore(%run_scoped3A_136 : memref<!tpu.dma_semaphore, #tpu.memory_space<semaphore_mem>>) src(%dma_wait3A_160 : memref<80x128xf32, #tpu.memory_space<vmem>>) dst(%dma_wait3A_156 : memref<80x128xf32, #tpu.memory_space<vmem_shared>>)
      tpu.yield
    }) : () -> ()
    %add3A_29 = arith.constant 480 : i32
    %add3A_30 = arith.addi %mul3A_11, %add3A_29 : i32
    %run_scoped3A_31 = arith.constant 0 : i32
    "tpu.region"() ({
      %run_scoped3A_136 = tpu.sem_alloc : memref<!tpu.dma_semaphore, #tpu.memory_space<semaphore_mem>>
      %dma_start3A_137 = arith.constant 0 : i32
      %dma_start3A_138 = arith.constant 0 : i32
      %dma_start3A_139 = tpu.memref_slice %arg11[%run_scoped3A_31, %dma_start3A_137, %dma_start3A_138] : memref<2x80x128xf32, #tpu.memory_space<vmem>> -> memref<1x80x128xf32, #tpu.memory_space<vmem>>
      %dma_start3A_140 = tpu.memref_squeeze %dma_start3A_139 : memref<1x80x128xf32, #tpu.memory_space<vmem>> -> memref<80x128xf32, #tpu.memory_space<vmem>>
      %dma_start3A_141 = arith.constant 0 : i32
      %dma_start3A_142 = tpu.memref_slice %arg14[%add3A_30, %dma_start3A_141] : memref<10000x128xf32, #tpu.memory_space<vmem_shared>> -> memref<80x128xf32, #tpu.memory_space<vmem_shared>>
      %dma_start3A_143 = arith.constant 0 : i32
      %dma_start3A_144 = tpu.memref_slice %arg14[%add3A_30, %dma_start3A_143] : memref<10000x128xf32, #tpu.memory_space<vmem_shared>> -> memref<80x128xf32, #tpu.memory_space<vmem_shared>>
      %dma_start3A_145 = arith.constant 0 : i32
      %dma_start3A_146 = arith.constant 0 : i32
      %dma_start3A_147 = tpu.memref_slice %arg11[%run_scoped3A_31, %dma_start3A_145, %dma_start3A_146] : memref<2x80x128xf32, #tpu.memory_space<vmem>> -> memref<1x80x128xf32, #tpu.memory_space<vmem>>
      %dma_start3A_148 = tpu.memref_squeeze %dma_start3A_147 : memref<1x80x128xf32, #tpu.memory_space<vmem>> -> memref<80x128xf32, #tpu.memory_space<vmem>>
      tpu.enqueue_dma source(%dma_start3A_148 : memref<80x128xf32, #tpu.memory_space<vmem>>) target(%dma_start3A_144 : memref<80x128xf32, #tpu.memory_space<vmem_shared>>) target_semaphore(%run_scoped3A_136 : memref<!tpu.dma_semaphore, #tpu.memory_space<semaphore_mem>>)
      %dma_wait3A_149 = arith.constant 0 : i32
      %dma_wait3A_150 = arith.constant 0 : i32
      %dma_wait3A_151 = tpu.memref_slice %arg11[%run_scoped3A_31, %dma_wait3A_149, %dma_wait3A_150] : memref<2x80x128xf32, #tpu.memory_space<vmem>> -> memref<1x80x128xf32, #tpu.memory_space<vmem>>
      %dma_wait3A_152 = tpu.memref_squeeze %dma_wait3A_151 : memref<1x80x128xf32, #tpu.memory_space<vmem>> -> memref<80x128xf32, #tpu.memory_space<vmem>>
      %dma_wait3A_153 = arith.constant 0 : i32
      %dma_wait3A_154 = tpu.memref_slice %arg14[%add3A_30, %dma_wait3A_153] : memref<10000x128xf32, #tpu.memory_space<vmem_shared>> -> memref<80x128xf32, #tpu.memory_space<vmem_shared>>
      %dma_wait3A_155 = arith.constant 0 : i32
      %dma_wait3A_156 = tpu.memref_slice %arg14[%add3A_30, %dma_wait3A_155] : memref<10000x128xf32, #tpu.memory_space<vmem_shared>> -> memref<80x128xf32, #tpu.memory_space<vmem_shared>>
      %dma_wait3A_157 = arith.constant 0 : i32
      %dma_wait3A_158 = arith.constant 0 : i32
      %dma_wait3A_159 = tpu.memref_slice %arg11[%run_scoped3A_31, %dma_wait3A_157, %dma_wait3A_158] : memref<2x80x128xf32, #tpu.memory_space<vmem>> -> memref<1x80x128xf32, #tpu.memory_space<vmem>>
      %dma_wait3A_160 = tpu.memref_squeeze %dma_wait3A_159 : memref<1x80x128xf32, #tpu.memory_space<vmem>> -> memref<80x128xf32, #tpu.memory_space<vmem>>
      tpu.wait_dma2 semaphore(%run_scoped3A_136 : memref<!tpu.dma_semaphore, #tpu.memory_space<semaphore_mem>>) src(%dma_wait3A_160 : memref<80x128xf32, #tpu.memory_space<vmem>>) dst(%dma_wait3A_156 : memref<80x128xf32, #tpu.memory_space<vmem_shared>>)
      tpu.yield
    }) : () -> ()
    %add3A_32 = arith.constant 624 : i32
    %add3A_33 = arith.addi %mul3A_11, %add3A_32 : i32
    %sub3A = arith.constant 64 : i32
    %sub3A_34 = arith.subi %add3A_33, %sub3A : i32
    %run_scoped3A_35 = arith.constant 0 : i32
    "tpu.region"() ({
      %run_scoped3A_136 = tpu.sem_alloc : memref<!tpu.dma_semaphore, #tpu.memory_space<semaphore_mem>>
      %dma_start3A_137 = arith.constant 0 : i32
      %dma_start3A_138 = arith.constant 0 : i32
      %dma_start3A_139 = tpu.memref_slice %arg11[%run_scoped3A_35, %dma_start3A_137, %dma_start3A_138] : memref<2x80x128xf32, #tpu.memory_space<vmem>> -> memref<1x64x128xf32, #tpu.memory_space<vmem>>
      %dma_start3A_140 = tpu.memref_squeeze %dma_start3A_139 : memref<1x64x128xf32, #tpu.memory_space<vmem>> -> memref<64x128xf32, #tpu.memory_space<vmem>>
      %dma_start3A_141 = arith.constant 0 : i32
      %dma_start3A_142 = tpu.memref_slice %arg14[%sub3A_34, %dma_start3A_141] : memref<10000x128xf32, #tpu.memory_space<vmem_shared>> -> memref<64x128xf32, #tpu.memory_space<vmem_shared>>
      %dma_start3A_143 = arith.constant 0 : i32
      %dma_start3A_144 = tpu.memref_slice %arg14[%sub3A_34, %dma_start3A_143] : memref<10000x128xf32, #tpu.memory_space<vmem_shared>> -> memref<64x128xf32, #tpu.memory_space<vmem_shared>>
      %dma_start3A_145 = arith.constant 0 : i32
      %dma_start3A_146 = arith.constant 0 : i32
      %dma_start3A_147 = tpu.memref_slice %arg11[%run_scoped3A_35, %dma_start3A_145, %dma_start3A_146] : memref<2x80x128xf32, #tpu.memory_space<vmem>> -> memref<1x64x128xf32, #tpu.memory_space<vmem>>
      %dma_start3A_148 = tpu.memref_squeeze %dma_start3A_147 : memref<1x64x128xf32, #tpu.memory_space<vmem>> -> memref<64x128xf32, #tpu.memory_space<vmem>>
      tpu.enqueue_dma source(%dma_start3A_148 : memref<64x128xf32, #tpu.memory_space<vmem>>) target(%dma_start3A_144 : memref<64x128xf32, #tpu.memory_space<vmem_shared>>) target_semaphore(%run_scoped3A_136 : memref<!tpu.dma_semaphore, #tpu.memory_space<semaphore_mem>>)
      %dma_wait3A_149 = arith.constant 0 : i32
      %dma_wait3A_150 = arith.constant 0 : i32
      %dma_wait3A_151 = tpu.memref_slice %arg11[%run_scoped3A_35, %dma_wait3A_149, %dma_wait3A_150] : memref<2x80x128xf32, #tpu.memory_space<vmem>> -> memref<1x64x128xf32, #tpu.memory_space<vmem>>
      %dma_wait3A_152 = tpu.memref_squeeze %dma_wait3A_151 : memref<1x64x128xf32, #tpu.memory_space<vmem>> -> memref<64x128xf32, #tpu.memory_space<vmem>>
      %dma_wait3A_153 = arith.constant 0 : i32
      %dma_wait3A_154 = tpu.memref_slice %arg14[%sub3A_34, %dma_wait3A_153] : memref<10000x128xf32, #tpu.memory_space<vmem_shared>> -> memref<64x128xf32, #tpu.memory_space<vmem_shared>>
      %dma_wait3A_155 = arith.constant 0 : i32
      %dma_wait3A_156 = tpu.memref_slice %arg14[%sub3A_34, %dma_wait3A_155] : memref<10000x128xf32, #tpu.memory_space<vmem_shared>> -> memref<64x128xf32, #tpu.memory_space<vmem_shared>>
      %dma_wait3A_157 = arith.constant 0 : i32
      %dma_wait3A_158 = arith.constant 0 : i32
      %dma_wait3A_159 = tpu.memref_slice %arg11[%run_scoped3A_35, %dma_wait3A_157, %dma_wait3A_158] : memref<2x80x128xf32, #tpu.memory_space<vmem>> -> memref<1x64x128xf32, #tpu.memory_space<vmem>>
      %dma_wait3A_160 = tpu.memref_squeeze %dma_wait3A_159 : memref<1x64x128xf32, #tpu.memory_space<vmem>> -> memref<64x128xf32, #tpu.memory_space<vmem>>
      tpu.wait_dma2 semaphore(%run_scoped3A_136 : memref<!tpu.dma_semaphore, #tpu.memory_space<semaphore_mem>>) src(%dma_wait3A_160 : memref<64x128xf32, #tpu.memory_space<vmem>>) dst(%dma_wait3A_156 : memref<64x128xf32, #tpu.memory_space<vmem_shared>>)
      tpu.yield
    }) : () -> ()
    %eq3A_36 = arith.constant 15 : i32
    %eq3A_37 = arith.cmpi eq, %arg1, %eq3A_36 : i32
    %convert_element_type3A_38 = arith.extui %eq3A_37 : i1 to i32
    %cond3A_39 = arith.constant 0 : i32
    %cond3A_40 = arith.cmpi ne, %convert_element_type3A_38, %cond3A_39 : i32
    scf.if %cond3A_40 {
      %run_scoped3A_136 = arith.constant 0 : i32
      "tpu.region"() ({
        %run_scoped3A_137 = tpu.sem_alloc : memref<!tpu.dma_semaphore, #tpu.memory_space<semaphore_mem>>
        %dma_start3A_138 = arith.constant 0 : i32
        %dma_start3A_139 = arith.constant 0 : i32
        %dma_start3A_140 = tpu.memref_slice %arg11[%run_scoped3A_136, %dma_start3A_138, %dma_start3A_139] : memref<2x80x128xf32, #tpu.memory_space<vmem>> -> memref<1x16x128xf32, #tpu.memory_space<vmem>>
        %dma_start3A_141 = tpu.memref_squeeze %dma_start3A_140 : memref<1x16x128xf32, #tpu.memory_space<vmem>> -> memref<16x128xf32, #tpu.memory_space<vmem>>
        %dma_start3A_142 = arith.constant 9984 : i32
        %dma_start3A_143 = arith.constant 0 : i32
        %dma_start3A_144 = tpu.memref_slice %arg14[%dma_start3A_142, %dma_start3A_143] : memref<10000x128xf32, #tpu.memory_space<vmem_shared>> -> memref<16x128xf32, #tpu.memory_space<vmem_shared>>
        %dma_start3A_145 = arith.constant 9984 : i32
        %dma_start3A_146 = arith.constant 0 : i32
        %dma_start3A_147 = tpu.memref_slice %arg14[%dma_start3A_145, %dma_start3A_146] : memref<10000x128xf32, #tpu.memory_space<vmem_shared>> -> memref<16x128xf32, #tpu.memory_space<vmem_shared>>
        %dma_start3A_148 = arith.constant 0 : i32
        %dma_start3A_149 = arith.constant 0 : i32
        %dma_start3A_150 = tpu.memref_slice %arg11[%run_scoped3A_136, %dma_start3A_148, %dma_start3A_149] : memref<2x80x128xf32, #tpu.memory_space<vmem>> -> memref<1x16x128xf32, #tpu.memory_space<vmem>>
        %dma_start3A_151 = tpu.memref_squeeze %dma_start3A_150 : memref<1x16x128xf32, #tpu.memory_space<vmem>> -> memref<16x128xf32, #tpu.memory_space<vmem>>
        tpu.enqueue_dma source(%dma_start3A_151 : memref<16x128xf32, #tpu.memory_space<vmem>>) target(%dma_start3A_147 : memref<16x128xf32, #tpu.memory_space<vmem_shared>>) target_semaphore(%run_scoped3A_137 : memref<!tpu.dma_semaphore, #tpu.memory_space<semaphore_mem>>)
        %dma_wait3A_152 = arith.constant 0 : i32
        %dma_wait3A_153 = arith.constant 0 : i32
        %dma_wait3A_154 = tpu.memref_slice %arg11[%run_scoped3A_136, %dma_wait3A_152, %dma_wait3A_153] : memref<2x80x128xf32, #tpu.memory_space<vmem>> -> memref<1x16x128xf32, #tpu.memory_space<vmem>>
        %dma_wait3A_155 = tpu.memref_squeeze %dma_wait3A_154 : memref<1x16x128xf32, #tpu.memory_space<vmem>> -> memref<16x128xf32, #tpu.memory_space<vmem>>
        %dma_wait3A_156 = arith.constant 9984 : i32
        %dma_wait3A_157 = arith.constant 0 : i32
        %dma_wait3A_158 = tpu.memref_slice %arg14[%dma_wait3A_156, %dma_wait3A_157] : memref<10000x128xf32, #tpu.memory_space<vmem_shared>> -> memref<16x128xf32, #tpu.memory_space<vmem_shared>>
        %dma_wait3A_159 = arith.constant 9984 : i32
        %dma_wait3A_160 = arith.constant 0 : i32
        %dma_wait3A_161 = tpu.memref_slice %arg14[%dma_wait3A_159, %dma_wait3A_160] : memref<10000x128xf32, #tpu.memory_space<vmem_shared>> -> memref<16x128xf32, #tpu.memory_space<vmem_shared>>
        %dma_wait3A_162 = arith.constant 0 : i32
        %dma_wait3A_163 = arith.constant 0 : i32
        %dma_wait3A_164 = tpu.memref_slice %arg11[%run_scoped3A_136, %dma_wait3A_162, %dma_wait3A_163] : memref<2x80x128xf32, #tpu.memory_space<vmem>> -> memref<1x16x128xf32, #tpu.memory_space<vmem>>
        %dma_wait3A_165 = tpu.memref_squeeze %dma_wait3A_164 : memref<1x16x128xf32, #tpu.memory_space<vmem>> -> memref<16x128xf32, #tpu.memory_space<vmem>>
        tpu.wait_dma2 semaphore(%run_scoped3A_137 : memref<!tpu.dma_semaphore, #tpu.memory_space<semaphore_mem>>) src(%dma_wait3A_165 : memref<16x128xf32, #tpu.memory_space<vmem>>) dst(%dma_wait3A_161 : memref<16x128xf32, #tpu.memory_space<vmem_shared>>)
        tpu.yield
      }) : () -> ()
    } else {
    }
    %barrier3A = arith.constant 0 : index
    tpu.barrier barrier_id(%barrier3A)
    %add3A_41 = arith.constant 0 : i32
    %add3A_42 = arith.addi %mul3A_2, %add3A_41 : i32
    %run_scoped3A_43 = arith.constant 0 : i32
    %run_scoped3A_44 = arith.constant 0 : i32
    "tpu.region"() ({
      %run_scoped3A_136 = tpu.sem_alloc : memref<!tpu.dma_semaphore, #tpu.memory_space<semaphore_mem>>
      %dma_start3A_137 = arith.constant 0 : i32
      %dma_start3A_138 = tpu.memref_slice %arg8[%run_scoped3A_43, %run_scoped3A_44, %dma_start3A_137] : memref<3x1x80xi32, #tpu.memory_space<vmem>> -> memref<1x1x80xi32, #tpu.memory_space<vmem>>
      %dma_start3A_139 = tpu.memref_squeeze %dma_start3A_138 : memref<1x1x80xi32, #tpu.memory_space<vmem>> -> memref<80xi32, #tpu.memory_space<vmem>>
      %dma_start3A_140 = tpu.memref_slice %arg3[%add3A_42] : memref<320000xi32, #tpu.memory_space<hbm>> -> memref<80xi32, #tpu.memory_space<hbm>>
      %dma_start3A_141 = arith.constant 0 : i32
      %dma_start3A_142 = tpu.memref_slice %arg8[%run_scoped3A_43, %run_scoped3A_44, %dma_start3A_141] : memref<3x1x80xi32, #tpu.memory_space<vmem>> -> memref<1x1x80xi32, #tpu.memory_space<vmem>>
      %dma_start3A_143 = tpu.memref_squeeze %dma_start3A_142 : memref<1x1x80xi32, #tpu.memory_space<vmem>> -> memref<80xi32, #tpu.memory_space<vmem>>
      %dma_start3A_144 = tpu.memref_slice %arg3[%add3A_42] : memref<320000xi32, #tpu.memory_space<hbm>> -> memref<80xi32, #tpu.memory_space<hbm>>
      tpu.enqueue_dma source(%dma_start3A_144 : memref<80xi32, #tpu.memory_space<hbm>>) target(%dma_start3A_143 : memref<80xi32, #tpu.memory_space<vmem>>) target_semaphore(%run_scoped3A_136 : memref<!tpu.dma_semaphore, #tpu.memory_space<semaphore_mem>>)
      %dma_wait3A_145 = arith.constant 0 : i32
      %dma_wait3A_146 = tpu.memref_slice %arg8[%run_scoped3A_43, %run_scoped3A_44, %dma_wait3A_145] : memref<3x1x80xi32, #tpu.memory_space<vmem>> -> memref<1x1x80xi32, #tpu.memory_space<vmem>>
      %dma_wait3A_147 = tpu.memref_squeeze %dma_wait3A_146 : memref<1x1x80xi32, #tpu.memory_space<vmem>> -> memref<80xi32, #tpu.memory_space<vmem>>
      %dma_wait3A_148 = tpu.memref_slice %arg3[%add3A_42] : memref<320000xi32, #tpu.memory_space<hbm>> -> memref<80xi32, #tpu.memory_space<hbm>>
      %dma_wait3A_149 = arith.constant 0 : i32
      %dma_wait3A_150 = tpu.memref_slice %arg8[%run_scoped3A_43, %run_scoped3A_44, %dma_wait3A_149] : memref<3x1x80xi32, #tpu.memory_space<vmem>> -> memref<1x1x80xi32, #tpu.memory_space<vmem>>
      %dma_wait3A_151 = tpu.memref_squeeze %dma_wait3A_150 : memref<1x1x80xi32, #tpu.memory_space<vmem>> -> memref<80xi32, #tpu.memory_space<vmem>>
      %dma_wait3A_152 = tpu.memref_slice %arg3[%add3A_42] : memref<320000xi32, #tpu.memory_space<hbm>> -> memref<80xi32, #tpu.memory_space<hbm>>
      tpu.wait_dma2 semaphore(%run_scoped3A_136 : memref<!tpu.dma_semaphore, #tpu.memory_space<semaphore_mem>>) src(%dma_wait3A_152 : memref<80xi32, #tpu.memory_space<hbm>>) dst(%dma_wait3A_151 : memref<80xi32, #tpu.memory_space<vmem>>)
      tpu.yield
    }) : () -> ()
    %run_scoped3A_45 = arith.constant 0 : i32
    %run_scoped3A_46 = arith.constant 0 : i32
    "tpu.region"() ({
      %run_scoped3A_136 = tpu.sem_alloc : memref<!tpu.dma_semaphore, #tpu.memory_space<semaphore_mem>>
      %dma_start3A_137 = arith.constant 0 : i32
      %dma_start3A_138 = tpu.memref_slice %arg9[%run_scoped3A_45, %run_scoped3A_46, %dma_start3A_137] : memref<3x1x80xi32, #tpu.memory_space<vmem>> -> memref<1x1x80xi32, #tpu.memory_space<vmem>>
      %dma_start3A_139 = tpu.memref_squeeze %dma_start3A_138 : memref<1x1x80xi32, #tpu.memory_space<vmem>> -> memref<80xi32, #tpu.memory_space<vmem>>
      %dma_start3A_140 = tpu.memref_slice %arg4[%add3A_42] : memref<320000xi32, #tpu.memory_space<hbm>> -> memref<80xi32, #tpu.memory_space<hbm>>
      %dma_start3A_141 = arith.constant 0 : i32
      %dma_start3A_142 = tpu.memref_slice %arg9[%run_scoped3A_45, %run_scoped3A_46, %dma_start3A_141] : memref<3x1x80xi32, #tpu.memory_space<vmem>> -> memref<1x1x80xi32, #tpu.memory_space<vmem>>
      %dma_start3A_143 = tpu.memref_squeeze %dma_start3A_142 : memref<1x1x80xi32, #tpu.memory_space<vmem>> -> memref<80xi32, #tpu.memory_space<vmem>>
      %dma_start3A_144 = tpu.memref_slice %arg4[%add3A_42] : memref<320000xi32, #tpu.memory_space<hbm>> -> memref<80xi32, #tpu.memory_space<hbm>>
      tpu.enqueue_dma source(%dma_start3A_144 : memref<80xi32, #tpu.memory_space<hbm>>) target(%dma_start3A_143 : memref<80xi32, #tpu.memory_space<vmem>>) target_semaphore(%run_scoped3A_136 : memref<!tpu.dma_semaphore, #tpu.memory_space<semaphore_mem>>)
      %dma_wait3A_145 = arith.constant 0 : i32
      %dma_wait3A_146 = tpu.memref_slice %arg9[%run_scoped3A_45, %run_scoped3A_46, %dma_wait3A_145] : memref<3x1x80xi32, #tpu.memory_space<vmem>> -> memref<1x1x80xi32, #tpu.memory_space<vmem>>
      %dma_wait3A_147 = tpu.memref_squeeze %dma_wait3A_146 : memref<1x1x80xi32, #tpu.memory_space<vmem>> -> memref<80xi32, #tpu.memory_space<vmem>>
      %dma_wait3A_148 = tpu.memref_slice %arg4[%add3A_42] : memref<320000xi32, #tpu.memory_space<hbm>> -> memref<80xi32, #tpu.memory_space<hbm>>
      %dma_wait3A_149 = arith.constant 0 : i32
      %dma_wait3A_150 = tpu.memref_slice %arg9[%run_scoped3A_45, %run_scoped3A_46, %dma_wait3A_149] : memref<3x1x80xi32, #tpu.memory_space<vmem>> -> memref<1x1x80xi32, #tpu.memory_space<vmem>>
      %dma_wait3A_151 = tpu.memref_squeeze %dma_wait3A_150 : memref<1x1x80xi32, #tpu.memory_space<vmem>> -> memref<80xi32, #tpu.memory_space<vmem>>
      %dma_wait3A_152 = tpu.memref_slice %arg4[%add3A_42] : memref<320000xi32, #tpu.memory_space<hbm>> -> memref<80xi32, #tpu.memory_space<hbm>>
      tpu.wait_dma2 semaphore(%run_scoped3A_136 : memref<!tpu.dma_semaphore, #tpu.memory_space<semaphore_mem>>) src(%dma_wait3A_152 : memref<80xi32, #tpu.memory_space<hbm>>) dst(%dma_wait3A_151 : memref<80xi32, #tpu.memory_space<vmem>>)
      tpu.yield
    }) : () -> ()
    %run_scoped3A_47 = arith.constant 0 : i32
    %run_scoped3A_48 = arith.constant 0 : i32
    "tpu.region"() ({
      %run_scoped3A_136 = tpu.sem_alloc : memref<!tpu.dma_semaphore, #tpu.memory_space<semaphore_mem>>
      %dma_start3A_137 = arith.constant 0 : i32
      %dma_start3A_138 = tpu.memref_slice %arg10[%run_scoped3A_47, %run_scoped3A_48, %dma_start3A_137] : memref<3x1x80xi32, #tpu.memory_space<vmem>> -> memref<1x1x80xi32, #tpu.memory_space<vmem>>
      %dma_start3A_139 = tpu.memref_squeeze %dma_start3A_138 : memref<1x1x80xi32, #tpu.memory_space<vmem>> -> memref<80xi32, #tpu.memory_space<vmem>>
      %dma_start3A_140 = tpu.memref_slice %arg5[%add3A_42] : memref<320000xi32, #tpu.memory_space<hbm>> -> memref<80xi32, #tpu.memory_space<hbm>>
      %dma_start3A_141 = arith.constant 0 : i32
      %dma_start3A_142 = tpu.memref_slice %arg10[%run_scoped3A_47, %run_scoped3A_48, %dma_start3A_141] : memref<3x1x80xi32, #tpu.memory_space<vmem>> -> memref<1x1x80xi32, #tpu.memory_space<vmem>>
      %dma_start3A_143 = tpu.memref_squeeze %dma_start3A_142 : memref<1x1x80xi32, #tpu.memory_space<vmem>> -> memref<80xi32, #tpu.memory_space<vmem>>
      %dma_start3A_144 = tpu.memref_slice %arg5[%add3A_42] : memref<320000xi32, #tpu.memory_space<hbm>> -> memref<80xi32, #tpu.memory_space<hbm>>
      tpu.enqueue_dma source(%dma_start3A_144 : memref<80xi32, #tpu.memory_space<hbm>>) target(%dma_start3A_143 : memref<80xi32, #tpu.memory_space<vmem>>) target_semaphore(%run_scoped3A_136 : memref<!tpu.dma_semaphore, #tpu.memory_space<semaphore_mem>>)
      %dma_wait3A_145 = arith.constant 0 : i32
      %dma_wait3A_146 = tpu.memref_slice %arg10[%run_scoped3A_47, %run_scoped3A_48, %dma_wait3A_145] : memref<3x1x80xi32, #tpu.memory_space<vmem>> -> memref<1x1x80xi32, #tpu.memory_space<vmem>>
      %dma_wait3A_147 = tpu.memref_squeeze %dma_wait3A_146 : memref<1x1x80xi32, #tpu.memory_space<vmem>> -> memref<80xi32, #tpu.memory_space<vmem>>
      %dma_wait3A_148 = tpu.memref_slice %arg5[%add3A_42] : memref<320000xi32, #tpu.memory_space<hbm>> -> memref<80xi32, #tpu.memory_space<hbm>>
      %dma_wait3A_149 = arith.constant 0 : i32
      %dma_wait3A_150 = tpu.memref_slice %arg10[%run_scoped3A_47, %run_scoped3A_48, %dma_wait3A_149] : memref<3x1x80xi32, #tpu.memory_space<vmem>> -> memref<1x1x80xi32, #tpu.memory_space<vmem>>
      %dma_wait3A_151 = tpu.memref_squeeze %dma_wait3A_150 : memref<1x1x80xi32, #tpu.memory_space<vmem>> -> memref<80xi32, #tpu.memory_space<vmem>>
      %dma_wait3A_152 = tpu.memref_slice %arg5[%add3A_42] : memref<320000xi32, #tpu.memory_space<hbm>> -> memref<80xi32, #tpu.memory_space<hbm>>
      tpu.wait_dma2 semaphore(%run_scoped3A_136 : memref<!tpu.dma_semaphore, #tpu.memory_space<semaphore_mem>>) src(%dma_wait3A_152 : memref<80xi32, #tpu.memory_space<hbm>>) dst(%dma_wait3A_151 : memref<80xi32, #tpu.memory_space<vmem>>)
      tpu.yield
    }) : () -> ()
    %add3A_49 = arith.constant 80 : i32
    %add3A_50 = arith.addi %mul3A_2, %add3A_49 : i32
    %run_scoped3A_51 = arith.constant 1 : i32
    %run_scoped3A_52 = arith.constant 0 : i32
    "tpu.region"() ({
      %run_scoped3A_136 = tpu.sem_alloc : memref<!tpu.dma_semaphore, #tpu.memory_space<semaphore_mem>>
      %dma_start3A_137 = arith.constant 0 : i32
      %dma_start3A_138 = tpu.memref_slice %arg8[%run_scoped3A_51, %run_scoped3A_52, %dma_start3A_137] : memref<3x1x80xi32, #tpu.memory_space<vmem>> -> memref<1x1x80xi32, #tpu.memory_space<vmem>>
      %dma_start3A_139 = tpu.memref_squeeze %dma_start3A_138 : memref<1x1x80xi32, #tpu.memory_space<vmem>> -> memref<80xi32, #tpu.memory_space<vmem>>
      %dma_start3A_140 = tpu.memref_slice %arg3[%add3A_50] : memref<320000xi32, #tpu.memory_space<hbm>> -> memref<80xi32, #tpu.memory_space<hbm>>
      %dma_start3A_141 = arith.constant 0 : i32
      %dma_start3A_142 = tpu.memref_slice %arg8[%run_scoped3A_51, %run_scoped3A_52, %dma_start3A_141] : memref<3x1x80xi32, #tpu.memory_space<vmem>> -> memref<1x1x80xi32, #tpu.memory_space<vmem>>
      %dma_start3A_143 = tpu.memref_squeeze %dma_start3A_142 : memref<1x1x80xi32, #tpu.memory_space<vmem>> -> memref<80xi32, #tpu.memory_space<vmem>>
      %dma_start3A_144 = tpu.memref_slice %arg3[%add3A_50] : memref<320000xi32, #tpu.memory_space<hbm>> -> memref<80xi32, #tpu.memory_space<hbm>>
      tpu.enqueue_dma source(%dma_start3A_144 : memref<80xi32, #tpu.memory_space<hbm>>) target(%dma_start3A_143 : memref<80xi32, #tpu.memory_space<vmem>>) target_semaphore(%run_scoped3A_136 : memref<!tpu.dma_semaphore, #tpu.memory_space<semaphore_mem>>)
      %dma_wait3A_145 = arith.constant 0 : i32
      %dma_wait3A_146 = tpu.memref_slice %arg8[%run_scoped3A_51, %run_scoped3A_52, %dma_wait3A_145] : memref<3x1x80xi32, #tpu.memory_space<vmem>> -> memref<1x1x80xi32, #tpu.memory_space<vmem>>
      %dma_wait3A_147 = tpu.memref_squeeze %dma_wait3A_146 : memref<1x1x80xi32, #tpu.memory_space<vmem>> -> memref<80xi32, #tpu.memory_space<vmem>>
      %dma_wait3A_148 = tpu.memref_slice %arg3[%add3A_50] : memref<320000xi32, #tpu.memory_space<hbm>> -> memref<80xi32, #tpu.memory_space<hbm>>
      %dma_wait3A_149 = arith.constant 0 : i32
      %dma_wait3A_150 = tpu.memref_slice %arg8[%run_scoped3A_51, %run_scoped3A_52, %dma_wait3A_149] : memref<3x1x80xi32, #tpu.memory_space<vmem>> -> memref<1x1x80xi32, #tpu.memory_space<vmem>>
      %dma_wait3A_151 = tpu.memref_squeeze %dma_wait3A_150 : memref<1x1x80xi32, #tpu.memory_space<vmem>> -> memref<80xi32, #tpu.memory_space<vmem>>
      %dma_wait3A_152 = tpu.memref_slice %arg3[%add3A_50] : memref<320000xi32, #tpu.memory_space<hbm>> -> memref<80xi32, #tpu.memory_space<hbm>>
      tpu.wait_dma2 semaphore(%run_scoped3A_136 : memref<!tpu.dma_semaphore, #tpu.memory_space<semaphore_mem>>) src(%dma_wait3A_152 : memref<80xi32, #tpu.memory_space<hbm>>) dst(%dma_wait3A_151 : memref<80xi32, #tpu.memory_space<vmem>>)
      tpu.yield
    }) : () -> ()
    %run_scoped3A_53 = arith.constant 1 : i32
    %run_scoped3A_54 = arith.constant 0 : i32
    "tpu.region"() ({
      %run_scoped3A_136 = tpu.sem_alloc : memref<!tpu.dma_semaphore, #tpu.memory_space<semaphore_mem>>
      %dma_start3A_137 = arith.constant 0 : i32
      %dma_start3A_138 = tpu.memref_slice %arg9[%run_scoped3A_53, %run_scoped3A_54, %dma_start3A_137] : memref<3x1x80xi32, #tpu.memory_space<vmem>> -> memref<1x1x80xi32, #tpu.memory_space<vmem>>
      %dma_start3A_139 = tpu.memref_squeeze %dma_start3A_138 : memref<1x1x80xi32, #tpu.memory_space<vmem>> -> memref<80xi32, #tpu.memory_space<vmem>>
      %dma_start3A_140 = tpu.memref_slice %arg4[%add3A_50] : memref<320000xi32, #tpu.memory_space<hbm>> -> memref<80xi32, #tpu.memory_space<hbm>>
      %dma_start3A_141 = arith.constant 0 : i32
      %dma_start3A_142 = tpu.memref_slice %arg9[%run_scoped3A_53, %run_scoped3A_54, %dma_start3A_141] : memref<3x1x80xi32, #tpu.memory_space<vmem>> -> memref<1x1x80xi32, #tpu.memory_space<vmem>>
      %dma_start3A_143 = tpu.memref_squeeze %dma_start3A_142 : memref<1x1x80xi32, #tpu.memory_space<vmem>> -> memref<80xi32, #tpu.memory_space<vmem>>
      %dma_start3A_144 = tpu.memref_slice %arg4[%add3A_50] : memref<320000xi32, #tpu.memory_space<hbm>> -> memref<80xi32, #tpu.memory_space<hbm>>
      tpu.enqueue_dma source(%dma_start3A_144 : memref<80xi32, #tpu.memory_space<hbm>>) target(%dma_start3A_143 : memref<80xi32, #tpu.memory_space<vmem>>) target_semaphore(%run_scoped3A_136 : memref<!tpu.dma_semaphore, #tpu.memory_space<semaphore_mem>>)
      %dma_wait3A_145 = arith.constant 0 : i32
      %dma_wait3A_146 = tpu.memref_slice %arg9[%run_scoped3A_53, %run_scoped3A_54, %dma_wait3A_145] : memref<3x1x80xi32, #tpu.memory_space<vmem>> -> memref<1x1x80xi32, #tpu.memory_space<vmem>>
      %dma_wait3A_147 = tpu.memref_squeeze %dma_wait3A_146 : memref<1x1x80xi32, #tpu.memory_space<vmem>> -> memref<80xi32, #tpu.memory_space<vmem>>
      %dma_wait3A_148 = tpu.memref_slice %arg4[%add3A_50] : memref<320000xi32, #tpu.memory_space<hbm>> -> memref<80xi32, #tpu.memory_space<hbm>>
      %dma_wait3A_149 = arith.constant 0 : i32
      %dma_wait3A_150 = tpu.memref_slice %arg9[%run_scoped3A_53, %run_scoped3A_54, %dma_wait3A_149] : memref<3x1x80xi32, #tpu.memory_space<vmem>> -> memref<1x1x80xi32, #tpu.memory_space<vmem>>
      %dma_wait3A_151 = tpu.memref_squeeze %dma_wait3A_150 : memref<1x1x80xi32, #tpu.memory_space<vmem>> -> memref<80xi32, #tpu.memory_space<vmem>>
      %dma_wait3A_152 = tpu.memref_slice %arg4[%add3A_50] : memref<320000xi32, #tpu.memory_space<hbm>> -> memref<80xi32, #tpu.memory_space<hbm>>
      tpu.wait_dma2 semaphore(%run_scoped3A_136 : memref<!tpu.dma_semaphore, #tpu.memory_space<semaphore_mem>>) src(%dma_wait3A_152 : memref<80xi32, #tpu.memory_space<hbm>>) dst(%dma_wait3A_151 : memref<80xi32, #tpu.memory_space<vmem>>)
      tpu.yield
    }) : () -> ()
    %run_scoped3A_55 = arith.constant 1 : i32
    %run_scoped3A_56 = arith.constant 0 : i32
    "tpu.region"() ({
      %run_scoped3A_136 = tpu.sem_alloc : memref<!tpu.dma_semaphore, #tpu.memory_space<semaphore_mem>>
      %dma_start3A_137 = arith.constant 0 : i32
      %dma_start3A_138 = tpu.memref_slice %arg10[%run_scoped3A_55, %run_scoped3A_56, %dma_start3A_137] : memref<3x1x80xi32, #tpu.memory_space<vmem>> -> memref<1x1x80xi32, #tpu.memory_space<vmem>>
      %dma_start3A_139 = tpu.memref_squeeze %dma_start3A_138 : memref<1x1x80xi32, #tpu.memory_space<vmem>> -> memref<80xi32, #tpu.memory_space<vmem>>
      %dma_start3A_140 = tpu.memref_slice %arg5[%add3A_50] : memref<320000xi32, #tpu.memory_space<hbm>> -> memref<80xi32, #tpu.memory_space<hbm>>
      %dma_start3A_141 = arith.constant 0 : i32
      %dma_start3A_142 = tpu.memref_slice %arg10[%run_scoped3A_55, %run_scoped3A_56, %dma_start3A_141] : memref<3x1x80xi32, #tpu.memory_space<vmem>> -> memref<1x1x80xi32, #tpu.memory_space<vmem>>
      %dma_start3A_143 = tpu.memref_squeeze %dma_start3A_142 : memref<1x1x80xi32, #tpu.memory_space<vmem>> -> memref<80xi32, #tpu.memory_space<vmem>>
      %dma_start3A_144 = tpu.memref_slice %arg5[%add3A_50] : memref<320000xi32, #tpu.memory_space<hbm>> -> memref<80xi32, #tpu.memory_space<hbm>>
      tpu.enqueue_dma source(%dma_start3A_144 : memref<80xi32, #tpu.memory_space<hbm>>) target(%dma_start3A_143 : memref<80xi32, #tpu.memory_space<vmem>>) target_semaphore(%run_scoped3A_136 : memref<!tpu.dma_semaphore, #tpu.memory_space<semaphore_mem>>)
      %dma_wait3A_145 = arith.constant 0 : i32
      %dma_wait3A_146 = tpu.memref_slice %arg10[%run_scoped3A_55, %run_scoped3A_56, %dma_wait3A_145] : memref<3x1x80xi32, #tpu.memory_space<vmem>> -> memref<1x1x80xi32, #tpu.memory_space<vmem>>
      %dma_wait3A_147 = tpu.memref_squeeze %dma_wait3A_146 : memref<1x1x80xi32, #tpu.memory_space<vmem>> -> memref<80xi32, #tpu.memory_space<vmem>>
      %dma_wait3A_148 = tpu.memref_slice %arg5[%add3A_50] : memref<320000xi32, #tpu.memory_space<hbm>> -> memref<80xi32, #tpu.memory_space<hbm>>
      %dma_wait3A_149 = arith.constant 0 : i32
      %dma_wait3A_150 = tpu.memref_slice %arg10[%run_scoped3A_55, %run_scoped3A_56, %dma_wait3A_149] : memref<3x1x80xi32, #tpu.memory_space<vmem>> -> memref<1x1x80xi32, #tpu.memory_space<vmem>>
      %dma_wait3A_151 = tpu.memref_squeeze %dma_wait3A_150 : memref<1x1x80xi32, #tpu.memory_space<vmem>> -> memref<80xi32, #tpu.memory_space<vmem>>
      %dma_wait3A_152 = tpu.memref_slice %arg5[%add3A_50] : memref<320000xi32, #tpu.memory_space<hbm>> -> memref<80xi32, #tpu.memory_space<hbm>>
      tpu.wait_dma2 semaphore(%run_scoped3A_136 : memref<!tpu.dma_semaphore, #tpu.memory_space<semaphore_mem>>) src(%dma_wait3A_152 : memref<80xi32, #tpu.memory_space<hbm>>) dst(%dma_wait3A_151 : memref<80xi32, #tpu.memory_space<vmem>>)
      tpu.yield
    }) : () -> ()
    %dma_start3A = arith.constant 0 : i32
    %dma_start3A_57 = arith.constant 0 : i32
    %dma_start3A_58 = arith.constant 0 : i32
    %dma_start3A_59 = arith.constant 0 : i32
    %dma_start3A_60 = arith.constant 0 : i32
    %dma_start3A_61 = tpu.memref_slice %arg11[%dma_start3A_58, %dma_start3A_59, %dma_start3A_60] : memref<2x80x128xf32, #tpu.memory_space<vmem>> -> memref<1x80x128xf32, #tpu.memory_space<vmem>>
    %dma_start3A_62 = tpu.memref_squeeze %dma_start3A_61 : memref<1x80x128xf32, #tpu.memory_space<vmem>> -> memref<80x128xf32, #tpu.memory_space<vmem>>
    %dma_start3A_63 = arith.constant 0 : i32
    %dma_start3A_64 = tpu.memref_slice %arg8[%dma_start3A, %dma_start3A_57, %dma_start3A_63] : memref<3x1x80xi32, #tpu.memory_space<vmem>> -> memref<1x1x80xi32, #tpu.memory_space<vmem>>
    %dma_start3A_65 = tpu.memref_squeeze %dma_start3A_64 : memref<1x1x80xi32, #tpu.memory_space<vmem>> -> memref<80xi32, #tpu.memory_space<vmem>>
    %dma_start3A_66 = arith.constant 0 : i32
    %dma_start3A_67 = arith.constant 0 : i32
    %dma_start3A_68 = tpu.memref_slice %arg2[%dma_start3A_66, %dma_start3A_67] : memref<10000x128xf32, #tpu.memory_space<hbm>> -> memref<10000x128xf32, #tpu.memory_space<hbm>>
    tpu.enqueue_indirect_dma source(%dma_start3A_68 : memref<10000x128xf32, #tpu.memory_space<hbm>>) target(%dma_start3A_62 : memref<80x128xf32, #tpu.memory_space<vmem>>) offsets(%dma_start3A_65 : memref<80xi32, #tpu.memory_space<vmem>>) semaphore(%arg15 : memref<!tpu.dma_semaphore, #tpu.memory_space<semaphore_mem>>)
    %dma_start3A_69 = arith.constant 0 : i32
    %dma_start3A_70 = arith.constant 0 : i32
    %dma_start3A_71 = arith.constant 0 : i32
    %dma_start3A_72 = arith.constant 0 : i32
    %dma_start3A_73 = arith.constant 0 : i32
    %dma_start3A_74 = tpu.memref_slice %arg12[%dma_start3A_71, %dma_start3A_72, %dma_start3A_73] : memref<2x80x128xf32, #tpu.memory_space<vmem>> -> memref<1x80x128xf32, #tpu.memory_space<vmem>>
    %dma_start3A_75 = tpu.memref_squeeze %dma_start3A_74 : memref<1x80x128xf32, #tpu.memory_space<vmem>> -> memref<80x128xf32, #tpu.memory_space<vmem>>
    %dma_start3A_76 = arith.constant 0 : i32
    %dma_start3A_77 = tpu.memref_slice %arg10[%dma_start3A_69, %dma_start3A_70, %dma_start3A_76] : memref<3x1x80xi32, #tpu.memory_space<vmem>> -> memref<1x1x80xi32, #tpu.memory_space<vmem>>
    %dma_start3A_78 = tpu.memref_squeeze %dma_start3A_77 : memref<1x1x80xi32, #tpu.memory_space<vmem>> -> memref<80xi32, #tpu.memory_space<vmem>>
    %dma_start3A_79 = arith.constant 0 : i32
    %dma_start3A_80 = arith.constant 0 : i32
    %dma_start3A_81 = tpu.memref_slice %arg13[%dma_start3A_79, %dma_start3A_80] : memref<20x128xf32, #tpu.memory_space<vmem_shared>> -> memref<20x128xf32, #tpu.memory_space<vmem_shared>>
    tpu.enqueue_indirect_dma source(%dma_start3A_81 : memref<20x128xf32, #tpu.memory_space<vmem_shared>>) target(%dma_start3A_75 : memref<80x128xf32, #tpu.memory_space<vmem>>) offsets(%dma_start3A_78 : memref<80xi32, #tpu.memory_space<vmem>>) semaphore(%arg16 : memref<!tpu.dma_semaphore, #tpu.memory_space<semaphore_mem>>)
    %dma_wait3A = arith.constant 0 : i32
    %dma_wait3A_82 = arith.constant 0 : i32
    %dma_wait3A_83 = arith.constant 0 : i32
    %dma_wait3A_84 = arith.constant 0 : i32
    %dma_wait3A_85 = arith.constant 0 : i32
    %dma_wait3A_86 = tpu.memref_slice %arg11[%dma_wait3A_83, %dma_wait3A_84, %dma_wait3A_85] : memref<2x80x128xf32, #tpu.memory_space<vmem>> -> memref<1x80x128xf32, #tpu.memory_space<vmem>>
    %dma_wait3A_87 = tpu.memref_squeeze %dma_wait3A_86 : memref<1x80x128xf32, #tpu.memory_space<vmem>> -> memref<80x128xf32, #tpu.memory_space<vmem>>
    %dma_wait3A_88 = arith.constant 0 : i32
    %dma_wait3A_89 = tpu.memref_slice %arg8[%dma_wait3A, %dma_wait3A_82, %dma_wait3A_88] : memref<3x1x80xi32, #tpu.memory_space<vmem>> -> memref<1x1x80xi32, #tpu.memory_space<vmem>>
    %dma_wait3A_90 = tpu.memref_squeeze %dma_wait3A_89 : memref<1x1x80xi32, #tpu.memory_space<vmem>> -> memref<80xi32, #tpu.memory_space<vmem>>
    %dma_wait3A_91 = arith.constant 0 : i32
    %dma_wait3A_92 = arith.constant 0 : i32
    %dma_wait3A_93 = tpu.memref_slice %arg2[%dma_wait3A_91, %dma_wait3A_92] : memref<10000x128xf32, #tpu.memory_space<hbm>> -> memref<10000x128xf32, #tpu.memory_space<hbm>>
    tpu.wait_indirect_dma semaphore(%arg15 : memref<!tpu.dma_semaphore, #tpu.memory_space<semaphore_mem>>) src(%dma_wait3A_93 : memref<10000x128xf32, #tpu.memory_space<hbm>>) dst(%dma_wait3A_87 : memref<80x128xf32, #tpu.memory_space<vmem>>)
    %dma_wait3A_94 = arith.constant 0 : i32
    %dma_wait3A_95 = arith.constant 0 : i32
    %dma_wait3A_96 = arith.constant 0 : i32
    %dma_wait3A_97 = arith.constant 0 : i32
    %dma_wait3A_98 = arith.constant 0 : i32
    %dma_wait3A_99 = tpu.memref_slice %arg12[%dma_wait3A_96, %dma_wait3A_97, %dma_wait3A_98] : memref<2x80x128xf32, #tpu.memory_space<vmem>> -> memref<1x80x128xf32, #tpu.memory_space<vmem>>
    %dma_wait3A_100 = tpu.memref_squeeze %dma_wait3A_99 : memref<1x80x128xf32, #tpu.memory_space<vmem>> -> memref<80x128xf32, #tpu.memory_space<vmem>>
    %dma_wait3A_101 = arith.constant 0 : i32
    %dma_wait3A_102 = tpu.memref_slice %arg10[%dma_wait3A_94, %dma_wait3A_95, %dma_wait3A_101] : memref<3x1x80xi32, #tpu.memory_space<vmem>> -> memref<1x1x80xi32, #tpu.memory_space<vmem>>
    %dma_wait3A_103 = tpu.memref_squeeze %dma_wait3A_102 : memref<1x1x80xi32, #tpu.memory_space<vmem>> -> memref<80xi32, #tpu.memory_space<vmem>>
    %dma_wait3A_104 = arith.constant 0 : i32
    %dma_wait3A_105 = arith.constant 0 : i32
    %dma_wait3A_106 = tpu.memref_slice %arg13[%dma_wait3A_104, %dma_wait3A_105] : memref<20x128xf32, #tpu.memory_space<vmem_shared>> -> memref<20x128xf32, #tpu.memory_space<vmem_shared>>
    tpu.wait_indirect_dma semaphore(%arg16 : memref<!tpu.dma_semaphore, #tpu.memory_space<semaphore_mem>>) src(%dma_wait3A_106 : memref<20x128xf32, #tpu.memory_space<vmem_shared>>) dst(%dma_wait3A_100 : memref<80x128xf32, #tpu.memory_space<vmem>>)
    %scan3A_107 = arith.constant 0 : i32
    %scan3A_108 = arith.constant 0 : i32
    %scan3A_109 = arith.constant 125 : i32
    %scan3A_110 = arith.addi %scan3A_108, %scan3A_109 : i32
    %scan3A_111 = arith.constant 1 : i32
    scf.for %scan3A_136 = %scan3A_108 to %scan3A_110 step %scan3A_111  : i32 {
      %rem3A = arith.constant 2 : i32
      %rem3A_137 = arith.remsi %scan3A_136, %rem3A : i32
      %add3A_138 = arith.constant 1 : i32
      %add3A_139 = arith.addi %scan3A_136, %add3A_138 : i32
      %rem3A_140 = arith.constant 2 : i32
      %rem3A_141 = arith.remsi %add3A_139, %rem3A_140 : i32
      %rem3A_142 = arith.constant 3 : i32
      %rem3A_143 = arith.remsi %scan3A_136, %rem3A_142 : i32
      %add3A_144 = arith.constant 1 : i32
      %add3A_145 = arith.addi %scan3A_136, %add3A_144 : i32
      %rem3A_146 = arith.constant 3 : i32
      %rem3A_147 = arith.remsi %add3A_145, %rem3A_146 : i32
      %add3A_148 = arith.constant 2 : i32
      %add3A_149 = arith.addi %scan3A_136, %add3A_148 : i32
      %rem3A_150 = arith.constant 3 : i32
      %rem3A_151 = arith.remsi %add3A_149, %rem3A_150 : i32
      %gt3A = arith.constant 0 : i32
      %gt3A_152 = arith.cmpi sgt, %scan3A_136, %gt3A : i32
      %convert_element_type3A_153 = arith.extui %gt3A_152 : i1 to i32
      %cond3A_154 = arith.constant 0 : i32
      %cond3A_155 = arith.cmpi ne, %convert_element_type3A_153, %cond3A_154 : i32
      scf.if %cond3A_155 {
        %dma_wait3A_188 = arith.constant 0 : i32
        %dma_wait3A_189 = arith.constant 0 : i32
        %dma_wait3A_190 = arith.constant 0 : i32
        %dma_wait3A_191 = tpu.memref_slice %arg11[%rem3A_141, %dma_wait3A_189, %dma_wait3A_190] : memref<2x80x128xf32, #tpu.memory_space<vmem>> -> memref<1x80x128xf32, #tpu.memory_space<vmem>>
        %dma_wait3A_192 = tpu.memref_squeeze %dma_wait3A_191 : memref<1x80x128xf32, #tpu.memory_space<vmem>> -> memref<80x128xf32, #tpu.memory_space<vmem>>
        %dma_wait3A_193 = arith.constant 0 : i32
        %dma_wait3A_194 = tpu.memref_slice %arg9[%rem3A_151, %dma_wait3A_188, %dma_wait3A_193] : memref<3x1x80xi32, #tpu.memory_space<vmem>> -> memref<1x1x80xi32, #tpu.memory_space<vmem>>
        %dma_wait3A_195 = tpu.memref_squeeze %dma_wait3A_194 : memref<1x1x80xi32, #tpu.memory_space<vmem>> -> memref<80xi32, #tpu.memory_space<vmem>>
        %dma_wait3A_196 = arith.constant 0 : i32
        %dma_wait3A_197 = arith.constant 0 : i32
        %dma_wait3A_198 = tpu.memref_slice %arg14[%dma_wait3A_196, %dma_wait3A_197] : memref<10000x128xf32, #tpu.memory_space<vmem_shared>> -> memref<10000x128xf32, #tpu.memory_space<vmem_shared>>
        tpu.wait_indirect_dma semaphore(%arg18 : memref<!tpu.dma_semaphore, #tpu.memory_space<semaphore_mem>>) src(%dma_wait3A_192 : memref<80x128xf32, #tpu.memory_space<vmem>>) dst(%dma_wait3A_198 : memref<10000x128xf32, #tpu.memory_space<vmem_shared>>)
      } else {
      }
      %lt3A = arith.constant 124 : i32
      %lt3A_156 = arith.cmpi slt, %scan3A_136, %lt3A : i32
      %convert_element_type3A_157 = arith.extui %lt3A_156 : i1 to i32
      %cond3A_158 = arith.constant 0 : i32
      %cond3A_159 = arith.cmpi ne, %convert_element_type3A_157, %cond3A_158 : i32
      scf.if %cond3A_159 {
        %dma_start3A_188 = arith.constant 0 : i32
        %dma_start3A_189 = arith.constant 0 : i32
        %dma_start3A_190 = arith.constant 0 : i32
        %dma_start3A_191 = tpu.memref_slice %arg11[%rem3A_141, %dma_start3A_189, %dma_start3A_190] : memref<2x80x128xf32, #tpu.memory_space<vmem>> -> memref<1x80x128xf32, #tpu.memory_space<vmem>>
        %dma_start3A_192 = tpu.memref_squeeze %dma_start3A_191 : memref<1x80x128xf32, #tpu.memory_space<vmem>> -> memref<80x128xf32, #tpu.memory_space<vmem>>
        %dma_start3A_193 = arith.constant 0 : i32
        %dma_start3A_194 = tpu.memref_slice %arg8[%rem3A_147, %dma_start3A_188, %dma_start3A_193] : memref<3x1x80xi32, #tpu.memory_space<vmem>> -> memref<1x1x80xi32, #tpu.memory_space<vmem>>
        %dma_start3A_195 = tpu.memref_squeeze %dma_start3A_194 : memref<1x1x80xi32, #tpu.memory_space<vmem>> -> memref<80xi32, #tpu.memory_space<vmem>>
        %dma_start3A_196 = arith.constant 0 : i32
        %dma_start3A_197 = arith.constant 0 : i32
        %dma_start3A_198 = tpu.memref_slice %arg2[%dma_start3A_196, %dma_start3A_197] : memref<10000x128xf32, #tpu.memory_space<hbm>> -> memref<10000x128xf32, #tpu.memory_space<hbm>>
        tpu.enqueue_indirect_dma source(%dma_start3A_198 : memref<10000x128xf32, #tpu.memory_space<hbm>>) target(%dma_start3A_192 : memref<80x128xf32, #tpu.memory_space<vmem>>) offsets(%dma_start3A_195 : memref<80xi32, #tpu.memory_space<vmem>>) semaphore(%arg15 : memref<!tpu.dma_semaphore, #tpu.memory_space<semaphore_mem>>)
        %dma_start3A_199 = arith.constant 0 : i32
        %dma_start3A_200 = arith.constant 0 : i32
        %dma_start3A_201 = arith.constant 0 : i32
        %dma_start3A_202 = tpu.memref_slice %arg12[%rem3A_141, %dma_start3A_200, %dma_start3A_201] : memref<2x80x128xf32, #tpu.memory_space<vmem>> -> memref<1x80x128xf32, #tpu.memory_space<vmem>>
        %dma_start3A_203 = tpu.memref_squeeze %dma_start3A_202 : memref<1x80x128xf32, #tpu.memory_space<vmem>> -> memref<80x128xf32, #tpu.memory_space<vmem>>
        %dma_start3A_204 = arith.constant 0 : i32
        %dma_start3A_205 = tpu.memref_slice %arg10[%rem3A_147, %dma_start3A_199, %dma_start3A_204] : memref<3x1x80xi32, #tpu.memory_space<vmem>> -> memref<1x1x80xi32, #tpu.memory_space<vmem>>
        %dma_start3A_206 = tpu.memref_squeeze %dma_start3A_205 : memref<1x1x80xi32, #tpu.memory_space<vmem>> -> memref<80xi32, #tpu.memory_space<vmem>>
        %dma_start3A_207 = arith.constant 0 : i32
        %dma_start3A_208 = arith.constant 0 : i32
        %dma_start3A_209 = tpu.memref_slice %arg13[%dma_start3A_207, %dma_start3A_208] : memref<20x128xf32, #tpu.memory_space<vmem_shared>> -> memref<20x128xf32, #tpu.memory_space<vmem_shared>>
        tpu.enqueue_indirect_dma source(%dma_start3A_209 : memref<20x128xf32, #tpu.memory_space<vmem_shared>>) target(%dma_start3A_203 : memref<80x128xf32, #tpu.memory_space<vmem>>) offsets(%dma_start3A_206 : memref<80xi32, #tpu.memory_space<vmem>>) semaphore(%arg16 : memref<!tpu.dma_semaphore, #tpu.memory_space<semaphore_mem>>)
      } else {
      }
      %lt3A_160 = arith.constant 123 : i32
      %lt3A_161 = arith.cmpi slt, %scan3A_136, %lt3A_160 : i32
      %convert_element_type3A_162 = arith.extui %lt3A_161 : i1 to i32
      %cond3A_163 = arith.constant 0 : i32
      %cond3A_164 = arith.cmpi ne, %convert_element_type3A_162, %cond3A_163 : i32
      scf.if %cond3A_164 {
        %add3A_188 = arith.constant 2 : i32
        %add3A_189 = arith.addi %scan3A_136, %add3A_188 : i32
        %mul3A_190 = arith.constant 80 : i32
        %mul3A_191 = arith.muli %add3A_189, %mul3A_190 : i32
        %add3A_192 = arith.addi %mul3A_2, %mul3A_191 : i32
        %dma_start3A_193 = arith.constant 0 : i32
        %dma_start3A_194 = arith.constant 0 : i32
        %dma_start3A_195 = tpu.memref_slice %arg8[%rem3A_151, %dma_start3A_193, %dma_start3A_194] : memref<3x1x80xi32, #tpu.memory_space<vmem>> -> memref<1x1x80xi32, #tpu.memory_space<vmem>>
        %dma_start3A_196 = tpu.memref_squeeze %dma_start3A_195 : memref<1x1x80xi32, #tpu.memory_space<vmem>> -> memref<80xi32, #tpu.memory_space<vmem>>
        %dma_start3A_197 = tpu.memref_slice %arg3[%add3A_192] : memref<320000xi32, #tpu.memory_space<hbm>> -> memref<80xi32, #tpu.memory_space<hbm>>
        %dma_start3A_198 = arith.constant 0 : i32
        %dma_start3A_199 = tpu.memref_slice %arg8[%rem3A_151, %dma_start3A_193, %dma_start3A_198] : memref<3x1x80xi32, #tpu.memory_space<vmem>> -> memref<1x1x80xi32, #tpu.memory_space<vmem>>
        %dma_start3A_200 = tpu.memref_squeeze %dma_start3A_199 : memref<1x1x80xi32, #tpu.memory_space<vmem>> -> memref<80xi32, #tpu.memory_space<vmem>>
        %dma_start3A_201 = tpu.memref_slice %arg3[%add3A_192] : memref<320000xi32, #tpu.memory_space<hbm>> -> memref<80xi32, #tpu.memory_space<hbm>>
        tpu.enqueue_dma source(%dma_start3A_201 : memref<80xi32, #tpu.memory_space<hbm>>) target(%dma_start3A_200 : memref<80xi32, #tpu.memory_space<vmem>>) target_semaphore(%arg17 : memref<!tpu.dma_semaphore, #tpu.memory_space<semaphore_mem>>)
        %dma_start3A_202 = arith.constant 0 : i32
        %dma_start3A_203 = arith.constant 0 : i32
        %dma_start3A_204 = tpu.memref_slice %arg9[%rem3A_151, %dma_start3A_202, %dma_start3A_203] : memref<3x1x80xi32, #tpu.memory_space<vmem>> -> memref<1x1x80xi32, #tpu.memory_space<vmem>>
        %dma_start3A_205 = tpu.memref_squeeze %dma_start3A_204 : memref<1x1x80xi32, #tpu.memory_space<vmem>> -> memref<80xi32, #tpu.memory_space<vmem>>
        %dma_start3A_206 = tpu.memref_slice %arg4[%add3A_192] : memref<320000xi32, #tpu.memory_space<hbm>> -> memref<80xi32, #tpu.memory_space<hbm>>
        %dma_start3A_207 = arith.constant 0 : i32
        %dma_start3A_208 = tpu.memref_slice %arg9[%rem3A_151, %dma_start3A_202, %dma_start3A_207] : memref<3x1x80xi32, #tpu.memory_space<vmem>> -> memref<1x1x80xi32, #tpu.memory_space<vmem>>
        %dma_start3A_209 = tpu.memref_squeeze %dma_start3A_208 : memref<1x1x80xi32, #tpu.memory_space<vmem>> -> memref<80xi32, #tpu.memory_space<vmem>>
        %dma_start3A_210 = tpu.memref_slice %arg4[%add3A_192] : memref<320000xi32, #tpu.memory_space<hbm>> -> memref<80xi32, #tpu.memory_space<hbm>>
        tpu.enqueue_dma source(%dma_start3A_210 : memref<80xi32, #tpu.memory_space<hbm>>) target(%dma_start3A_209 : memref<80xi32, #tpu.memory_space<vmem>>) target_semaphore(%arg17 : memref<!tpu.dma_semaphore, #tpu.memory_space<semaphore_mem>>)
        %dma_start3A_211 = arith.constant 0 : i32
        %dma_start3A_212 = arith.constant 0 : i32
        %dma_start3A_213 = tpu.memref_slice %arg10[%rem3A_151, %dma_start3A_211, %dma_start3A_212] : memref<3x1x80xi32, #tpu.memory_space<vmem>> -> memref<1x1x80xi32, #tpu.memory_space<vmem>>
        %dma_start3A_214 = tpu.memref_squeeze %dma_start3A_213 : memref<1x1x80xi32, #tpu.memory_space<vmem>> -> memref<80xi32, #tpu.memory_space<vmem>>
        %dma_start3A_215 = tpu.memref_slice %arg5[%add3A_192] : memref<320000xi32, #tpu.memory_space<hbm>> -> memref<80xi32, #tpu.memory_space<hbm>>
        %dma_start3A_216 = arith.constant 0 : i32
        %dma_start3A_217 = tpu.memref_slice %arg10[%rem3A_151, %dma_start3A_211, %dma_start3A_216] : memref<3x1x80xi32, #tpu.memory_space<vmem>> -> memref<1x1x80xi32, #tpu.memory_space<vmem>>
        %dma_start3A_218 = tpu.memref_squeeze %dma_start3A_217 : memref<1x1x80xi32, #tpu.memory_space<vmem>> -> memref<80xi32, #tpu.memory_space<vmem>>
        %dma_start3A_219 = tpu.memref_slice %arg5[%add3A_192] : memref<320000xi32, #tpu.memory_space<hbm>> -> memref<80xi32, #tpu.memory_space<hbm>>
        tpu.enqueue_dma source(%dma_start3A_219 : memref<80xi32, #tpu.memory_space<hbm>>) target(%dma_start3A_218 : memref<80xi32, #tpu.memory_space<vmem>>) target_semaphore(%arg17 : memref<!tpu.dma_semaphore, #tpu.memory_space<semaphore_mem>>)
      } else {
      }
      %parallel_loop3A = arith.constant 0 : i32
      %parallel_loop3A_165 = arith.constant 80 : i32
      %parallel_loop3A_166 = arith.constant 1 : i32
      scf.for %parallel_loop3A_188 = %parallel_loop3A to %parallel_loop3A_165 step %parallel_loop3A_166  : i32 {
        %parallel_loop3A_189 = arith.index_cast %rem3A_137 : i32 to index
        %parallel_loop3A_190 = arith.index_cast %parallel_loop3A_188 : i32 to index
        %parallel_loop3A_191 = arith.constant 0 : index
        %parallel_loop3A_192 = tpu.vector_load %arg11[%parallel_loop3A_189, %parallel_loop3A_190, %parallel_loop3A_191] {strides = array<i32>} : memref<2x80x128xf32, #tpu.memory_space<vmem>>, vector<1x1x16xf32>,
        %parallel_loop3A_193 = vector.shape_cast %parallel_loop3A_192 : vector<1x1x16xf32> to vector<16xf32>
        %parallel_loop3A_194 = arith.index_cast %rem3A_137 : i32 to index
        %parallel_loop3A_195 = arith.index_cast %parallel_loop3A_188 : i32 to index
        %parallel_loop3A_196 = arith.constant 0 : index
        %parallel_loop3A_197 = tpu.vector_load %arg12[%parallel_loop3A_194, %parallel_loop3A_195, %parallel_loop3A_196] {strides = array<i32>} : memref<2x80x128xf32, #tpu.memory_space<vmem>>, vector<1x1x16xf32>,
        %parallel_loop3A_198 = vector.shape_cast %parallel_loop3A_197 : vector<1x1x16xf32> to vector<16xf32>
        %parallel_loop3A_199 = arith.addf %parallel_loop3A_193, %parallel_loop3A_198 : vector<16xf32>
        %parallel_loop3A_200 = arith.constant 0.000000e+00 : f32
        %parallel_loop3A_201 = vector.broadcast %parallel_loop3A_200 : f32 to vector<16xf32>
        %parallel_loop3A_202 = arith.maximumf %parallel_loop3A_199, %parallel_loop3A_201 : vector<16xf32>
        %parallel_loop3A_203 = arith.index_cast %rem3A_137 : i32 to index
        %parallel_loop3A_204 = arith.index_cast %parallel_loop3A_188 : i32 to index
        %parallel_loop3A_205 = arith.constant 0 : index
        %parallel_loop3A_206 = tpu.vector_load %arg11[%parallel_loop3A_203, %parallel_loop3A_204, %parallel_loop3A_205] {strides = array<i32>} : memref<2x80x128xf32, #tpu.memory_space<vmem>>, vector<1x1x16xf32>,
        %parallel_loop3A_207 = vector.shape_cast %parallel_loop3A_206 : vector<1x1x16xf32> to vector<16xf32>
        %parallel_loop3A_208 = vector.shape_cast %parallel_loop3A_202 : vector<16xf32> to vector<1x1x16xf32>
        tpu.vector_store %arg11[%parallel_loop3A_203, %parallel_loop3A_204, %parallel_loop3A_205], %parallel_loop3A_208 {strides = array<i32>} : memref<2x80x128xf32, #tpu.memory_space<vmem>>, vector<1x1x16xf32>,
        %parallel_loop3A_209 = arith.index_cast %rem3A_137 : i32 to index
        %parallel_loop3A_210 = arith.index_cast %parallel_loop3A_188 : i32 to index
        %parallel_loop3A_211 = arith.constant 16 : index
        %parallel_loop3A_212 = tpu.vector_load %arg11[%parallel_loop3A_209, %parallel_loop3A_210, %parallel_loop3A_211] {strides = array<i32>} : memref<2x80x128xf32, #tpu.memory_space<vmem>>, vector<1x1x16xf32>,
        %parallel_loop3A_213 = vector.shape_cast %parallel_loop3A_212 : vector<1x1x16xf32> to vector<16xf32>
        %parallel_loop3A_214 = arith.index_cast %rem3A_137 : i32 to index
        %parallel_loop3A_215 = arith.index_cast %parallel_loop3A_188 : i32 to index
        %parallel_loop3A_216 = arith.constant 16 : index
        %parallel_loop3A_217 = tpu.vector_load %arg12[%parallel_loop3A_214, %parallel_loop3A_215, %parallel_loop3A_216] {strides = array<i32>} : memref<2x80x128xf32, #tpu.memory_space<vmem>>, vector<1x1x16xf32>,
        %parallel_loop3A_218 = vector.shape_cast %parallel_loop3A_217 : vector<1x1x16xf32> to vector<16xf32>
        %parallel_loop3A_219 = arith.addf %parallel_loop3A_213, %parallel_loop3A_218 : vector<16xf32>
        %parallel_loop3A_220 = arith.constant 0.000000e+00 : f32
        %parallel_loop3A_221 = vector.broadcast %parallel_loop3A_220 : f32 to vector<16xf32>
        %parallel_loop3A_222 = arith.maximumf %parallel_loop3A_219, %parallel_loop3A_221 : vector<16xf32>
        %parallel_loop3A_223 = arith.index_cast %rem3A_137 : i32 to index
        %parallel_loop3A_224 = arith.index_cast %parallel_loop3A_188 : i32 to index
        %parallel_loop3A_225 = arith.constant 16 : index
        %parallel_loop3A_226 = tpu.vector_load %arg11[%parallel_loop3A_223, %parallel_loop3A_224, %parallel_loop3A_225] {strides = array<i32>} : memref<2x80x128xf32, #tpu.memory_space<vmem>>, vector<1x1x16xf32>,
        %parallel_loop3A_227 = vector.shape_cast %parallel_loop3A_226 : vector<1x1x16xf32> to vector<16xf32>
        %parallel_loop3A_228 = vector.shape_cast %parallel_loop3A_222 : vector<16xf32> to vector<1x1x16xf32>
        tpu.vector_store %arg11[%parallel_loop3A_223, %parallel_loop3A_224, %parallel_loop3A_225], %parallel_loop3A_228 {strides = array<i32>} : memref<2x80x128xf32, #tpu.memory_space<vmem>>, vector<1x1x16xf32>,
        %parallel_loop3A_229 = arith.index_cast %rem3A_137 : i32 to index
        %parallel_loop3A_230 = arith.index_cast %parallel_loop3A_188 : i32 to index
        %parallel_loop3A_231 = arith.constant 32 : index
        %parallel_loop3A_232 = tpu.vector_load %arg11[%parallel_loop3A_229, %parallel_loop3A_230, %parallel_loop3A_231] {strides = array<i32>} : memref<2x80x128xf32, #tpu.memory_space<vmem>>, vector<1x1x16xf32>,
        %parallel_loop3A_233 = vector.shape_cast %parallel_loop3A_232 : vector<1x1x16xf32> to vector<16xf32>
        %parallel_loop3A_234 = arith.index_cast %rem3A_137 : i32 to index
        %parallel_loop3A_235 = arith.index_cast %parallel_loop3A_188 : i32 to index
        %parallel_loop3A_236 = arith.constant 32 : index
        %parallel_loop3A_237 = tpu.vector_load %arg12[%parallel_loop3A_234, %parallel_loop3A_235, %parallel_loop3A_236] {strides = array<i32>} : memref<2x80x128xf32, #tpu.memory_space<vmem>>, vector<1x1x16xf32>,
        %parallel_loop3A_238 = vector.shape_cast %parallel_loop3A_237 : vector<1x1x16xf32> to vector<16xf32>
        %parallel_loop3A_239 = arith.addf %parallel_loop3A_233, %parallel_loop3A_238 : vector<16xf32>
        %parallel_loop3A_240 = arith.constant 0.000000e+00 : f32
        %parallel_loop3A_241 = vector.broadcast %parallel_loop3A_240 : f32 to vector<16xf32>
        %parallel_loop3A_242 = arith.maximumf %parallel_loop3A_239, %parallel_loop3A_241 : vector<16xf32>
        %parallel_loop3A_243 = arith.index_cast %rem3A_137 : i32 to index
        %parallel_loop3A_244 = arith.index_cast %parallel_loop3A_188 : i32 to index
        %parallel_loop3A_245 = arith.constant 32 : index
        %parallel_loop3A_246 = tpu.vector_load %arg11[%parallel_loop3A_243, %parallel_loop3A_244, %parallel_loop3A_245] {strides = array<i32>} : memref<2x80x128xf32, #tpu.memory_space<vmem>>, vector<1x1x16xf32>,
        %parallel_loop3A_247 = vector.shape_cast %parallel_loop3A_246 : vector<1x1x16xf32> to vector<16xf32>
        %parallel_loop3A_248 = vector.shape_cast %parallel_loop3A_242 : vector<16xf32> to vector<1x1x16xf32>
        tpu.vector_store %arg11[%parallel_loop3A_243, %parallel_loop3A_244, %parallel_loop3A_245], %parallel_loop3A_248 {strides = array<i32>} : memref<2x80x128xf32, #tpu.memory_space<vmem>>, vector<1x1x16xf32>,
        %parallel_loop3A_249 = arith.index_cast %rem3A_137 : i32 to index
        %parallel_loop3A_250 = arith.index_cast %parallel_loop3A_188 : i32 to index
        %parallel_loop3A_251 = arith.constant 48 : index
        %parallel_loop3A_252 = tpu.vector_load %arg11[%parallel_loop3A_249, %parallel_loop3A_250, %parallel_loop3A_251] {strides = array<i32>} : memref<2x80x128xf32, #tpu.memory_space<vmem>>, vector<1x1x16xf32>,
        %parallel_loop3A_253 = vector.shape_cast %parallel_loop3A_252 : vector<1x1x16xf32> to vector<16xf32>
        %parallel_loop3A_254 = arith.index_cast %rem3A_137 : i32 to index
        %parallel_loop3A_255 = arith.index_cast %parallel_loop3A_188 : i32 to index
        %parallel_loop3A_256 = arith.constant 48 : index
        %parallel_loop3A_257 = tpu.vector_load %arg12[%parallel_loop3A_254, %parallel_loop3A_255, %parallel_loop3A_256] {strides = array<i32>} : memref<2x80x128xf32, #tpu.memory_space<vmem>>, vector<1x1x16xf32>,
        %parallel_loop3A_258 = vector.shape_cast %parallel_loop3A_257 : vector<1x1x16xf32> to vector<16xf32>
        %parallel_loop3A_259 = arith.addf %parallel_loop3A_253, %parallel_loop3A_258 : vector<16xf32>
        %parallel_loop3A_260 = arith.constant 0.000000e+00 : f32
        %parallel_loop3A_261 = vector.broadcast %parallel_loop3A_260 : f32 to vector<16xf32>
        %parallel_loop3A_262 = arith.maximumf %parallel_loop3A_259, %parallel_loop3A_261 : vector<16xf32>
        %parallel_loop3A_263 = arith.index_cast %rem3A_137 : i32 to index
        %parallel_loop3A_264 = arith.index_cast %parallel_loop3A_188 : i32 to index
        %parallel_loop3A_265 = arith.constant 48 : index
        %parallel_loop3A_266 = tpu.vector_load %arg11[%parallel_loop3A_263, %parallel_loop3A_264, %parallel_loop3A_265] {strides = array<i32>} : memref<2x80x128xf32, #tpu.memory_space<vmem>>, vector<1x1x16xf32>,
        %parallel_loop3A_267 = vector.shape_cast %parallel_loop3A_266 : vector<1x1x16xf32> to vector<16xf32>
        %parallel_loop3A_268 = vector.shape_cast %parallel_loop3A_262 : vector<16xf32> to vector<1x1x16xf32>
        tpu.vector_store %arg11[%parallel_loop3A_263, %parallel_loop3A_264, %parallel_loop3A_265], %parallel_loop3A_268 {strides = array<i32>} : memref<2x80x128xf32, #tpu.memory_space<vmem>>, vector<1x1x16xf32>,
        %parallel_loop3A_269 = arith.index_cast %rem3A_137 : i32 to index
        %parallel_loop3A_270 = arith.index_cast %parallel_loop3A_188 : i32 to index
        %parallel_loop3A_271 = arith.constant 64 : index
        %parallel_loop3A_272 = tpu.vector_load %arg11[%parallel_loop3A_269, %parallel_loop3A_270, %parallel_loop3A_271] {strides = array<i32>} : memref<2x80x128xf32, #tpu.memory_space<vmem>>, vector<1x1x16xf32>,
        %parallel_loop3A_273 = vector.shape_cast %parallel_loop3A_272 : vector<1x1x16xf32> to vector<16xf32>
        %parallel_loop3A_274 = arith.index_cast %rem3A_137 : i32 to index
        %parallel_loop3A_275 = arith.index_cast %parallel_loop3A_188 : i32 to index
        %parallel_loop3A_276 = arith.constant 64 : index
        %parallel_loop3A_277 = tpu.vector_load %arg12[%parallel_loop3A_274, %parallel_loop3A_275, %parallel_loop3A_276] {strides = array<i32>} : memref<2x80x128xf32, #tpu.memory_space<vmem>>, vector<1x1x16xf32>,
        %parallel_loop3A_278 = vector.shape_cast %parallel_loop3A_277 : vector<1x1x16xf32> to vector<16xf32>
        %parallel_loop3A_279 = arith.addf %parallel_loop3A_273, %parallel_loop3A_278 : vector<16xf32>
        %parallel_loop3A_280 = arith.constant 0.000000e+00 : f32
        %parallel_loop3A_281 = vector.broadcast %parallel_loop3A_280 : f32 to vector<16xf32>
        %parallel_loop3A_282 = arith.maximumf %parallel_loop3A_279, %parallel_loop3A_281 : vector<16xf32>
        %parallel_loop3A_283 = arith.index_cast %rem3A_137 : i32 to index
        %parallel_loop3A_284 = arith.index_cast %parallel_loop3A_188 : i32 to index
        %parallel_loop3A_285 = arith.constant 64 : index
        %parallel_loop3A_286 = tpu.vector_load %arg11[%parallel_loop3A_283, %parallel_loop3A_284, %parallel_loop3A_285] {strides = array<i32>} : memref<2x80x128xf32, #tpu.memory_space<vmem>>, vector<1x1x16xf32>,
        %parallel_loop3A_287 = vector.shape_cast %parallel_loop3A_286 : vector<1x1x16xf32> to vector<16xf32>
        %parallel_loop3A_288 = vector.shape_cast %parallel_loop3A_282 : vector<16xf32> to vector<1x1x16xf32>
        tpu.vector_store %arg11[%parallel_loop3A_283, %parallel_loop3A_284, %parallel_loop3A_285], %parallel_loop3A_288 {strides = array<i32>} : memref<2x80x128xf32, #tpu.memory_space<vmem>>, vector<1x1x16xf32>,
        %parallel_loop3A_289 = arith.index_cast %rem3A_137 : i32 to index
        %parallel_loop3A_290 = arith.index_cast %parallel_loop3A_188 : i32 to index
        %parallel_loop3A_291 = arith.constant 80 : index
        %parallel_loop3A_292 = tpu.vector_load %arg11[%parallel_loop3A_289, %parallel_loop3A_290, %parallel_loop3A_291] {strides = array<i32>} : memref<2x80x128xf32, #tpu.memory_space<vmem>>, vector<1x1x16xf32>,
        %parallel_loop3A_293 = vector.shape_cast %parallel_loop3A_292 : vector<1x1x16xf32> to vector<16xf32>
        %parallel_loop3A_294 = arith.index_cast %rem3A_137 : i32 to index
        %parallel_loop3A_295 = arith.index_cast %parallel_loop3A_188 : i32 to index
        %parallel_loop3A_296 = arith.constant 80 : index
        %parallel_loop3A_297 = tpu.vector_load %arg12[%parallel_loop3A_294, %parallel_loop3A_295, %parallel_loop3A_296] {strides = array<i32>} : memref<2x80x128xf32, #tpu.memory_space<vmem>>, vector<1x1x16xf32>,
        %parallel_loop3A_298 = vector.shape_cast %parallel_loop3A_297 : vector<1x1x16xf32> to vector<16xf32>
        %parallel_loop3A_299 = arith.addf %parallel_loop3A_293, %parallel_loop3A_298 : vector<16xf32>
        %parallel_loop3A_300 = arith.constant 0.000000e+00 : f32
        %parallel_loop3A_301 = vector.broadcast %parallel_loop3A_300 : f32 to vector<16xf32>
        %parallel_loop3A_302 = arith.maximumf %parallel_loop3A_299, %parallel_loop3A_301 : vector<16xf32>
        %parallel_loop3A_303 = arith.index_cast %rem3A_137 : i32 to index
        %parallel_loop3A_304 = arith.index_cast %parallel_loop3A_188 : i32 to index
        %parallel_loop3A_305 = arith.constant 80 : index
        %parallel_loop3A_306 = tpu.vector_load %arg11[%parallel_loop3A_303, %parallel_loop3A_304, %parallel_loop3A_305] {strides = array<i32>} : memref<2x80x128xf32, #tpu.memory_space<vmem>>, vector<1x1x16xf32>,
        %parallel_loop3A_307 = vector.shape_cast %parallel_loop3A_306 : vector<1x1x16xf32> to vector<16xf32>
        %parallel_loop3A_308 = vector.shape_cast %parallel_loop3A_302 : vector<16xf32> to vector<1x1x16xf32>
        tpu.vector_store %arg11[%parallel_loop3A_303, %parallel_loop3A_304, %parallel_loop3A_305], %parallel_loop3A_308 {strides = array<i32>} : memref<2x80x128xf32, #tpu.memory_space<vmem>>, vector<1x1x16xf32>,
        %parallel_loop3A_309 = arith.index_cast %rem3A_137 : i32 to index
        %parallel_loop3A_310 = arith.index_cast %parallel_loop3A_188 : i32 to index
        %parallel_loop3A_311 = arith.constant 96 : index
        %parallel_loop3A_312 = tpu.vector_load %arg11[%parallel_loop3A_309, %parallel_loop3A_310, %parallel_loop3A_311] {strides = array<i32>} : memref<2x80x128xf32, #tpu.memory_space<vmem>>, vector<1x1x16xf32>,
        %parallel_loop3A_313 = vector.shape_cast %parallel_loop3A_312 : vector<1x1x16xf32> to vector<16xf32>
        %parallel_loop3A_314 = arith.index_cast %rem3A_137 : i32 to index
        %parallel_loop3A_315 = arith.index_cast %parallel_loop3A_188 : i32 to index
        %parallel_loop3A_316 = arith.constant 96 : index
        %parallel_loop3A_317 = tpu.vector_load %arg12[%parallel_loop3A_314, %parallel_loop3A_315, %parallel_loop3A_316] {strides = array<i32>} : memref<2x80x128xf32, #tpu.memory_space<vmem>>, vector<1x1x16xf32>,
        %parallel_loop3A_318 = vector.shape_cast %parallel_loop3A_317 : vector<1x1x16xf32> to vector<16xf32>
        %parallel_loop3A_319 = arith.addf %parallel_loop3A_313, %parallel_loop3A_318 : vector<16xf32>
        %parallel_loop3A_320 = arith.constant 0.000000e+00 : f32
        %parallel_loop3A_321 = vector.broadcast %parallel_loop3A_320 : f32 to vector<16xf32>
        %parallel_loop3A_322 = arith.maximumf %parallel_loop3A_319, %parallel_loop3A_321 : vector<16xf32>
        %parallel_loop3A_323 = arith.index_cast %rem3A_137 : i32 to index
        %parallel_loop3A_324 = arith.index_cast %parallel_loop3A_188 : i32 to index
        %parallel_loop3A_325 = arith.constant 96 : index
        %parallel_loop3A_326 = tpu.vector_load %arg11[%parallel_loop3A_323, %parallel_loop3A_324, %parallel_loop3A_325] {strides = array<i32>} : memref<2x80x128xf32, #tpu.memory_space<vmem>>, vector<1x1x16xf32>,
        %parallel_loop3A_327 = vector.shape_cast %parallel_loop3A_326 : vector<1x1x16xf32> to vector<16xf32>
        %parallel_loop3A_328 = vector.shape_cast %parallel_loop3A_322 : vector<16xf32> to vector<1x1x16xf32>
        tpu.vector_store %arg11[%parallel_loop3A_323, %parallel_loop3A_324, %parallel_loop3A_325], %parallel_loop3A_328 {strides = array<i32>} : memref<2x80x128xf32, #tpu.memory_space<vmem>>, vector<1x1x16xf32>,
        %parallel_loop3A_329 = arith.index_cast %rem3A_137 : i32 to index
        %parallel_loop3A_330 = arith.index_cast %parallel_loop3A_188 : i32 to index
        %parallel_loop3A_331 = arith.constant 112 : index
        %parallel_loop3A_332 = tpu.vector_load %arg11[%parallel_loop3A_329, %parallel_loop3A_330, %parallel_loop3A_331] {strides = array<i32>} : memref<2x80x128xf32, #tpu.memory_space<vmem>>, vector<1x1x16xf32>,
        %parallel_loop3A_333 = vector.shape_cast %parallel_loop3A_332 : vector<1x1x16xf32> to vector<16xf32>
        %parallel_loop3A_334 = arith.index_cast %rem3A_137 : i32 to index
        %parallel_loop3A_335 = arith.index_cast %parallel_loop3A_188 : i32 to index
        %parallel_loop3A_336 = arith.constant 112 : index
        %parallel_loop3A_337 = tpu.vector_load %arg12[%parallel_loop3A_334, %parallel_loop3A_335, %parallel_loop3A_336] {strides = array<i32>} : memref<2x80x128xf32, #tpu.memory_space<vmem>>, vector<1x1x16xf32>,
        %parallel_loop3A_338 = vector.shape_cast %parallel_loop3A_337 : vector<1x1x16xf32> to vector<16xf32>
        %parallel_loop3A_339 = arith.addf %parallel_loop3A_333, %parallel_loop3A_338 : vector<16xf32>
        %parallel_loop3A_340 = arith.constant 0.000000e+00 : f32
        %parallel_loop3A_341 = vector.broadcast %parallel_loop3A_340 : f32 to vector<16xf32>
        %parallel_loop3A_342 = arith.maximumf %parallel_loop3A_339, %parallel_loop3A_341 : vector<16xf32>
        %parallel_loop3A_343 = arith.index_cast %rem3A_137 : i32 to index
        %parallel_loop3A_344 = arith.index_cast %parallel_loop3A_188 : i32 to index
        %parallel_loop3A_345 = arith.constant 112 : index
        %parallel_loop3A_346 = tpu.vector_load %arg11[%parallel_loop3A_343, %parallel_loop3A_344, %parallel_loop3A_345] {strides = array<i32>} : memref<2x80x128xf32, #tpu.memory_space<vmem>>, vector<1x1x16xf32>,
        %parallel_loop3A_347 = vector.shape_cast %parallel_loop3A_346 : vector<1x1x16xf32> to vector<16xf32>
        %parallel_loop3A_348 = vector.shape_cast %parallel_loop3A_342 : vector<16xf32> to vector<1x1x16xf32>
        tpu.vector_store %arg11[%parallel_loop3A_343, %parallel_loop3A_344, %parallel_loop3A_345], %parallel_loop3A_348 {strides = array<i32>} : memref<2x80x128xf32, #tpu.memory_space<vmem>>, vector<1x1x16xf32>,
      } {sc.loop_unroll_factor = 8 : i64, sc.parallel_access}
      %dma_start3A_167 = arith.constant 0 : i32
      %dma_start3A_168 = arith.constant 0 : i32
      %dma_start3A_169 = arith.constant 0 : i32
      %dma_start3A_170 = tpu.memref_slice %arg11[%rem3A_137, %dma_start3A_168, %dma_start3A_169] : memref<2x80x128xf32, #tpu.memory_space<vmem>> -> memref<1x80x128xf32, #tpu.memory_space<vmem>>
      %dma_start3A_171 = tpu.memref_squeeze %dma_start3A_170 : memref<1x80x128xf32, #tpu.memory_space<vmem>> -> memref<80x128xf32, #tpu.memory_space<vmem>>
      %dma_start3A_172 = arith.constant 0 : i32
      %dma_start3A_173 = tpu.memref_slice %arg9[%rem3A_143, %dma_start3A_167, %dma_start3A_172] : memref<3x1x80xi32, #tpu.memory_space<vmem>> -> memref<1x1x80xi32, #tpu.memory_space<vmem>>
      %dma_start3A_174 = tpu.memref_squeeze %dma_start3A_173 : memref<1x1x80xi32, #tpu.memory_space<vmem>> -> memref<80xi32, #tpu.memory_space<vmem>>
      %dma_start3A_175 = arith.constant 0 : i32
      %dma_start3A_176 = arith.constant 0 : i32
      %dma_start3A_177 = tpu.memref_slice %arg14[%dma_start3A_175, %dma_start3A_176] : memref<10000x128xf32, #tpu.memory_space<vmem_shared>> -> memref<10000x128xf32, #tpu.memory_space<vmem_shared>>
      tpu.enqueue_indirect_dma source(%dma_start3A_171 : memref<80x128xf32, #tpu.memory_space<vmem>>) target(%dma_start3A_177 : memref<10000x128xf32, #tpu.memory_space<vmem_shared>>) offsets(%dma_start3A_174 : memref<80xi32, #tpu.memory_space<vmem>>) semaphore(%arg18 : memref<!tpu.dma_semaphore, #tpu.memory_space<semaphore_mem>>) {add = true}
      %lt3A_178 = arith.constant 124 : i32
      %lt3A_179 = arith.cmpi slt, %scan3A_136, %lt3A_178 : i32
      %convert_element_type3A_180 = arith.extui %lt3A_179 : i1 to i32
      %cond3A_181 = arith.constant 0 : i32
      %cond3A_182 = arith.cmpi ne, %convert_element_type3A_180, %cond3A_181 : i32
      scf.if %cond3A_182 {
        %dma_wait3A_188 = arith.constant 0 : i32
        %dma_wait3A_189 = arith.constant 0 : i32
        %dma_wait3A_190 = arith.constant 0 : i32
        %dma_wait3A_191 = tpu.memref_slice %arg11[%rem3A_141, %dma_wait3A_189, %dma_wait3A_190] : memref<2x80x128xf32, #tpu.memory_space<vmem>> -> memref<1x80x128xf32, #tpu.memory_space<vmem>>
        %dma_wait3A_192 = tpu.memref_squeeze %dma_wait3A_191 : memref<1x80x128xf32, #tpu.memory_space<vmem>> -> memref<80x128xf32, #tpu.memory_space<vmem>>
        %dma_wait3A_193 = arith.constant 0 : i32
        %dma_wait3A_194 = tpu.memref_slice %arg8[%rem3A_147, %dma_wait3A_188, %dma_wait3A_193] : memref<3x1x80xi32, #tpu.memory_space<vmem>> -> memref<1x1x80xi32, #tpu.memory_space<vmem>>
        %dma_wait3A_195 = tpu.memref_squeeze %dma_wait3A_194 : memref<1x1x80xi32, #tpu.memory_space<vmem>> -> memref<80xi32, #tpu.memory_space<vmem>>
        %dma_wait3A_196 = arith.constant 0 : i32
        %dma_wait3A_197 = arith.constant 0 : i32
        %dma_wait3A_198 = tpu.memref_slice %arg2[%dma_wait3A_196, %dma_wait3A_197] : memref<10000x128xf32, #tpu.memory_space<hbm>> -> memref<10000x128xf32, #tpu.memory_space<hbm>>
        tpu.wait_indirect_dma semaphore(%arg15 : memref<!tpu.dma_semaphore, #tpu.memory_space<semaphore_mem>>) src(%dma_wait3A_198 : memref<10000x128xf32, #tpu.memory_space<hbm>>) dst(%dma_wait3A_192 : memref<80x128xf32, #tpu.memory_space<vmem>>)
        %dma_wait3A_199 = arith.constant 0 : i32
        %dma_wait3A_200 = arith.constant 0 : i32
        %dma_wait3A_201 = arith.constant 0 : i32
        %dma_wait3A_202 = tpu.memref_slice %arg12[%rem3A_141, %dma_wait3A_200, %dma_wait3A_201] : memref<2x80x128xf32, #tpu.memory_space<vmem>> -> memref<1x80x128xf32, #tpu.memory_space<vmem>>
        %dma_wait3A_203 = tpu.memref_squeeze %dma_wait3A_202 : memref<1x80x128xf32, #tpu.memory_space<vmem>> -> memref<80x128xf32, #tpu.memory_space<vmem>>
        %dma_wait3A_204 = arith.constant 0 : i32
        %dma_wait3A_205 = tpu.memref_slice %arg10[%rem3A_147, %dma_wait3A_199, %dma_wait3A_204] : memref<3x1x80xi32, #tpu.memory_space<vmem>> -> memref<1x1x80xi32, #tpu.memory_space<vmem>>
        %dma_wait3A_206 = tpu.memref_squeeze %dma_wait3A_205 : memref<1x1x80xi32, #tpu.memory_space<vmem>> -> memref<80xi32, #tpu.memory_space<vmem>>
        %dma_wait3A_207 = arith.constant 0 : i32
        %dma_wait3A_208 = arith.constant 0 : i32
        %dma_wait3A_209 = tpu.memref_slice %arg13[%dma_wait3A_207, %dma_wait3A_208] : memref<20x128xf32, #tpu.memory_space<vmem_shared>> -> memref<20x128xf32, #tpu.memory_space<vmem_shared>>
        tpu.wait_indirect_dma semaphore(%arg16 : memref<!tpu.dma_semaphore, #tpu.memory_space<semaphore_mem>>) src(%dma_wait3A_209 : memref<20x128xf32, #tpu.memory_space<vmem_shared>>) dst(%dma_wait3A_203 : memref<80x128xf32, #tpu.memory_space<vmem>>)
      } else {
      }
      %lt3A_183 = arith.constant 123 : i32
      %lt3A_184 = arith.cmpi slt, %scan3A_136, %lt3A_183 : i32
      %convert_element_type3A_185 = arith.extui %lt3A_184 : i1 to i32
      %cond3A_186 = arith.constant 0 : i32
      %cond3A_187 = arith.cmpi ne, %convert_element_type3A_185, %cond3A_186 : i32
      scf.if %cond3A_187 {
        %add3A_188 = arith.constant 2 : i32
        %add3A_189 = arith.addi %scan3A_136, %add3A_188 : i32
        %mul3A_190 = arith.constant 80 : i32
        %mul3A_191 = arith.muli %add3A_189, %mul3A_190 : i32
        %add3A_192 = arith.addi %mul3A_2, %mul3A_191 : i32
        %dma_wait3A_193 = arith.constant 0 : i32
        %dma_wait3A_194 = arith.constant 0 : i32
        %dma_wait3A_195 = tpu.memref_slice %arg8[%rem3A_151, %dma_wait3A_193, %dma_wait3A_194] : memref<3x1x80xi32, #tpu.memory_space<vmem>> -> memref<1x1x80xi32, #tpu.memory_space<vmem>>
        %dma_wait3A_196 = tpu.memref_squeeze %dma_wait3A_195 : memref<1x1x80xi32, #tpu.memory_space<vmem>> -> memref<80xi32, #tpu.memory_space<vmem>>
        %dma_wait3A_197 = tpu.memref_slice %arg3[%add3A_192] : memref<320000xi32, #tpu.memory_space<hbm>> -> memref<80xi32, #tpu.memory_space<hbm>>
        %dma_wait3A_198 = arith.constant 0 : i32
        %dma_wait3A_199 = tpu.memref_slice %arg8[%rem3A_151, %dma_wait3A_193, %dma_wait3A_198] : memref<3x1x80xi32, #tpu.memory_space<vmem>> -> memref<1x1x80xi32, #tpu.memory_space<vmem>>
        %dma_wait3A_200 = tpu.memref_squeeze %dma_wait3A_199 : memref<1x1x80xi32, #tpu.memory_space<vmem>> -> memref<80xi32, #tpu.memory_space<vmem>>
        %dma_wait3A_201 = tpu.memref_slice %arg3[%add3A_192] : memref<320000xi32, #tpu.memory_space<hbm>> -> memref<80xi32, #tpu.memory_space<hbm>>
        tpu.wait_dma2 semaphore(%arg17 : memref<!tpu.dma_semaphore, #tpu.memory_space<semaphore_mem>>) src(%dma_wait3A_201 : memref<80xi32, #tpu.memory_space<hbm>>) dst(%dma_wait3A_200 : memref<80xi32, #tpu.memory_space<vmem>>)
        %dma_wait3A_202 = arith.constant 0 : i32
        %dma_wait3A_203 = arith.constant 0 : i32
        %dma_wait3A_204 = tpu.memref_slice %arg9[%rem3A_151, %dma_wait3A_202, %dma_wait3A_203] : memref<3x1x80xi32, #tpu.memory_space<vmem>> -> memref<1x1x80xi32, #tpu.memory_space<vmem>>
        %dma_wait3A_205 = tpu.memref_squeeze %dma_wait3A_204 : memref<1x1x80xi32, #tpu.memory_space<vmem>> -> memref<80xi32, #tpu.memory_space<vmem>>
        %dma_wait3A_206 = tpu.memref_slice %arg4[%add3A_192] : memref<320000xi32, #tpu.memory_space<hbm>> -> memref<80xi32, #tpu.memory_space<hbm>>
        %dma_wait3A_207 = arith.constant 0 : i32
        %dma_wait3A_208 = tpu.memref_slice %arg9[%rem3A_151, %dma_wait3A_202, %dma_wait3A_207] : memref<3x1x80xi32, #tpu.memory_space<vmem>> -> memref<1x1x80xi32, #tpu.memory_space<vmem>>
        %dma_wait3A_209 = tpu.memref_squeeze %dma_wait3A_208 : memref<1x1x80xi32, #tpu.memory_space<vmem>> -> memref<80xi32, #tpu.memory_space<vmem>>
        %dma_wait3A_210 = tpu.memref_slice %arg4[%add3A_192] : memref<320000xi32, #tpu.memory_space<hbm>> -> memref<80xi32, #tpu.memory_space<hbm>>
        tpu.wait_dma2 semaphore(%arg17 : memref<!tpu.dma_semaphore, #tpu.memory_space<semaphore_mem>>) src(%dma_wait3A_210 : memref<80xi32, #tpu.memory_space<hbm>>) dst(%dma_wait3A_209 : memref<80xi32, #tpu.memory_space<vmem>>)
        %dma_wait3A_211 = arith.constant 0 : i32
        %dma_wait3A_212 = arith.constant 0 : i32
        %dma_wait3A_213 = tpu.memref_slice %arg10[%rem3A_151, %dma_wait3A_211, %dma_wait3A_212] : memref<3x1x80xi32, #tpu.memory_space<vmem>> -> memref<1x1x80xi32, #tpu.memory_space<vmem>>
        %dma_wait3A_214 = tpu.memref_squeeze %dma_wait3A_213 : memref<1x1x80xi32, #tpu.memory_space<vmem>> -> memref<80xi32, #tpu.memory_space<vmem>>
        %dma_wait3A_215 = tpu.memref_slice %arg5[%add3A_192] : memref<320000xi32, #tpu.memory_space<hbm>> -> memref<80xi32, #tpu.memory_space<hbm>>
        %dma_wait3A_216 = arith.constant 0 : i32
        %dma_wait3A_217 = tpu.memref_slice %arg10[%rem3A_151, %dma_wait3A_211, %dma_wait3A_216] : memref<3x1x80xi32, #tpu.memory_space<vmem>> -> memref<1x1x80xi32, #tpu.memory_space<vmem>>
        %dma_wait3A_218 = tpu.memref_squeeze %dma_wait3A_217 : memref<1x1x80xi32, #tpu.memory_space<vmem>> -> memref<80xi32, #tpu.memory_space<vmem>>
        %dma_wait3A_219 = tpu.memref_slice %arg5[%add3A_192] : memref<320000xi32, #tpu.memory_space<hbm>> -> memref<80xi32, #tpu.memory_space<hbm>>
        tpu.wait_dma2 semaphore(%arg17 : memref<!tpu.dma_semaphore, #tpu.memory_space<semaphore_mem>>) src(%dma_wait3A_219 : memref<80xi32, #tpu.memory_space<hbm>>) dst(%dma_wait3A_218 : memref<80xi32, #tpu.memory_space<vmem>>)
      } else {
      }
    }
    %scan3A_112 = arith.constant 125 : i32
    %dma_wait3A_113 = arith.constant 0 : i32
    %dma_wait3A_114 = arith.constant 1 : i32
    %dma_wait3A_115 = arith.constant 0 : i32
    %dma_wait3A_116 = arith.constant 0 : i32
    %dma_wait3A_117 = arith.constant 0 : i32
    %dma_wait3A_118 = tpu.memref_slice %arg11[%dma_wait3A_113, %dma_wait3A_116, %dma_wait3A_117] : memref<2x80x128xf32, #tpu.memory_space<vmem>> -> memref<1x80x128xf32, #tpu.memory_space<vmem>>
    %dma_wait3A_119 = tpu.memref_squeeze %dma_wait3A_118 : memref<1x80x128xf32, #tpu.memory_space<vmem>> -> memref<80x128xf32, #tpu.memory_space<vmem>>
    %dma_wait3A_120 = arith.constant 0 : i32
    %dma_wait3A_121 = tpu.memref_slice %arg9[%dma_wait3A_114, %dma_wait3A_115, %dma_wait3A_120] : memref<3x1x80xi32, #tpu.memory_space<vmem>> -> memref<1x1x80xi32, #tpu.memory_space<vmem>>
    %dma_wait3A_122 = tpu.memref_squeeze %dma_wait3A_121 : memref<1x1x80xi32, #tpu.memory_space<vmem>> -> memref<80xi32, #tpu.memory_space<vmem>>
    %dma_wait3A_123 = arith.constant 0 : i32
    %dma_wait3A_124 = arith.constant 0 : i32
    %dma_wait3A_125 = tpu.memref_slice %arg14[%dma_wait3A_123, %dma_wait3A_124] : memref<10000x128xf32, #tpu.memory_space<vmem_shared>> -> memref<10000x128xf32, #tpu.memory_space<vmem_shared>>
    tpu.wait_indirect_dma semaphore(%arg18 : memref<!tpu.dma_semaphore, #tpu.memory_space<semaphore_mem>>) src(%dma_wait3A_119 : memref<80x128xf32, #tpu.memory_space<vmem>>) dst(%dma_wait3A_125 : memref<10000x128xf32, #tpu.memory_space<vmem_shared>>)
    %barrier3A_126 = arith.constant 0 : index
    tpu.barrier barrier_id(%barrier3A_126)
    %mul3A_127 = arith.constant 624 : i32
    %mul3A_128 = arith.muli %arg1, %mul3A_127 : i32
    %mul3A_129 = arith.constant 624 : i32
    %mul3A_130 = arith.muli %arg1, %mul3A_129 : i32
    "tpu.region"() ({
      %run_scoped3A_136 = tpu.sem_alloc : memref<!tpu.dma_semaphore, #tpu.memory_space<semaphore_mem>>
      %dma_start3A_137 = arith.constant 0 : i32
      %dma_start3A_138 = tpu.memref_slice %arg7[%arg0, %mul3A_130, %dma_start3A_137] : memref<2x10000x128xf32, #tpu.memory_space<hbm>> -> memref<1x624x128xf32, #tpu.memory_space<hbm>>
      %dma_start3A_139 = tpu.memref_squeeze %dma_start3A_138 : memref<1x624x128xf32, #tpu.memory_space<hbm>> -> memref<624x128xf32, #tpu.memory_space<hbm>>
      %dma_start3A_140 = arith.constant 0 : i32
      %dma_start3A_141 = tpu.memref_slice %arg14[%mul3A_128, %dma_start3A_140] : memref<10000x128xf32, #tpu.memory_space<vmem_shared>> -> memref<624x128xf32, #tpu.memory_space<vmem_shared>>
      tpu.enqueue_dma source(%dma_start3A_141 : memref<624x128xf32, #tpu.memory_space<vmem_shared>>) target(%dma_start3A_139 : memref<624x128xf32, #tpu.memory_space<hbm>>) target_semaphore(%run_scoped3A_136 : memref<!tpu.dma_semaphore, #tpu.memory_space<semaphore_mem>>)
      %dma_wait3A_142 = arith.constant 0 : i32
      %dma_wait3A_143 = tpu.memref_slice %arg7[%arg0, %mul3A_130, %dma_wait3A_142] : memref<2x10000x128xf32, #tpu.memory_space<hbm>> -> memref<1x624x128xf32, #tpu.memory_space<hbm>>
      %dma_wait3A_144 = tpu.memref_squeeze %dma_wait3A_143 : memref<1x624x128xf32, #tpu.memory_space<hbm>> -> memref<624x128xf32, #tpu.memory_space<hbm>>
      %dma_wait3A_145 = arith.constant 0 : i32
      %dma_wait3A_146 = tpu.memref_slice %arg14[%mul3A_128, %dma_wait3A_145] : memref<10000x128xf32, #tpu.memory_space<vmem_shared>> -> memref<624x128xf32, #tpu.memory_space<vmem_shared>>
      tpu.wait_dma2 semaphore(%run_scoped3A_136 : memref<!tpu.dma_semaphore, #tpu.memory_space<semaphore_mem>>) src(%dma_wait3A_146 : memref<624x128xf32, #tpu.memory_space<vmem_shared>>) dst(%dma_wait3A_144 : memref<624x128xf32, #tpu.memory_space<hbm>>)
      tpu.yield
    }) : () -> ()
    %eq3A_131 = arith.constant 15 : i32
    %eq3A_132 = arith.cmpi eq, %arg1, %eq3A_131 : i32
    %convert_element_type3A_133 = arith.extui %eq3A_132 : i1 to i32
    %cond3A_134 = arith.constant 0 : i32
    %cond3A_135 = arith.cmpi ne, %convert_element_type3A_133, %cond3A_134 : i32
    scf.if %cond3A_135 {
      "tpu.region"() ({
        %run_scoped3A_136 = tpu.sem_alloc : memref<!tpu.dma_semaphore, #tpu.memory_space<semaphore_mem>>
        %dma_start3A_137 = arith.constant 9984 : i32
        %dma_start3A_138 = arith.constant 0 : i32
        %dma_start3A_139 = tpu.memref_slice %arg7[%arg0, %dma_start3A_137, %dma_start3A_138] : memref<2x10000x128xf32, #tpu.memory_space<hbm>> -> memref<1x16x128xf32, #tpu.memory_space<hbm>>
        %dma_start3A_140 = tpu.memref_squeeze %dma_start3A_139 : memref<1x16x128xf32, #tpu.memory_space<hbm>> -> memref<16x128xf32, #tpu.memory_space<hbm>>
        %dma_start3A_141 = arith.constant 9984 : i32
        %dma_start3A_142 = arith.constant 0 : i32
        %dma_start3A_143 = tpu.memref_slice %arg14[%dma_start3A_141, %dma_start3A_142] : memref<10000x128xf32, #tpu.memory_space<vmem_shared>> -> memref<16x128xf32, #tpu.memory_space<vmem_shared>>
        tpu.enqueue_dma source(%dma_start3A_143 : memref<16x128xf32, #tpu.memory_space<vmem_shared>>) target(%dma_start3A_140 : memref<16x128xf32, #tpu.memory_space<hbm>>) target_semaphore(%run_scoped3A_136 : memref<!tpu.dma_semaphore, #tpu.memory_space<semaphore_mem>>)
        %dma_wait3A_144 = arith.constant 9984 : i32
        %dma_wait3A_145 = arith.constant 0 : i32
        %dma_wait3A_146 = tpu.memref_slice %arg7[%arg0, %dma_wait3A_144, %dma_wait3A_145] : memref<2x10000x128xf32, #tpu.memory_space<hbm>> -> memref<1x16x128xf32, #tpu.memory_space<hbm>>
        %dma_wait3A_147 = tpu.memref_squeeze %dma_wait3A_146 : memref<1x16x128xf32, #tpu.memory_space<hbm>> -> memref<16x128xf32, #tpu.memory_space<hbm>>
        %dma_wait3A_148 = arith.constant 9984 : i32
        %dma_wait3A_149 = arith.constant 0 : i32
        %dma_wait3A_150 = tpu.memref_slice %arg14[%dma_wait3A_148, %dma_wait3A_149] : memref<10000x128xf32, #tpu.memory_space<vmem_shared>> -> memref<16x128xf32, #tpu.memory_space<vmem_shared>>
        tpu.wait_dma2 semaphore(%run_scoped3A_136 : memref<!tpu.dma_semaphore, #tpu.memory_space<semaphore_mem>>) src(%dma_wait3A_150 : memref<16x128xf32, #tpu.memory_space<vmem_shared>>) dst(%dma_wait3A_147 : memref<16x128xf32, #tpu.memory_space<hbm>>)
        tpu.yield
      }) : () -> ()
    } else {
    }
    return
  }
}

</mosaic_0001>

<sc_bundles>
// kernel: _sc_aggregate.3.cloned.1.call-start
scs
__scs_entry_jumppad:
0x0: {  	(pc) =	sbr.rel $0x88, $3  }
0x1: {  	(tag) =	ssettag $0x0;
	lr =	simm.s32 $0x1  }
0x2: {  	[smem:$0x3F9C] =	sst lr;
	_ =	strace $0xD0000000  }
0x3: {  	_ = 	snop  }
0x4: {  	_ = 	snop  }
0x5: {  	_ = 	snop  }
0x6: {  	_ = 	snop  }
0x7: {  	_ = 	snop  }
__scs_overlays_trampoline_lowered:
0x8: {  	[smem:$0x3FAB] =	sst s0  }
0x9: {  	[smem:$0x3FAC] =	sst s1  }
0xa: {  	[smem:$0x3FAD] =	sst s2  }
0xb: {  	[smem:$0x3FAE] =	sst s3  }
0xc: {  	[smem:$0x3FAF] =	sst s4  }
0xd: {  	[smem:$0x3FB0] =	sst s5  }
0xe: {  	[smem:$0x3FB1] =	sst s6  }
0xf: {  	[smem:$0x3FB2] =	sst s7  }
0x10: {  	[smem:$0x3FB3] =	sst s8  }
0x11: {  	[smem:$0x3FB4] =	sst s9;
	s0 =	simm.s32 @!p0 $0x0  }
0x12: {  	s1 =	sld [smem:$0x3F9A];
	s0 =	simm.s32 @p0 $0x1  }
0x13: {  	[smem:$0x3FB5] =	sst s0;
	s0 =	simm.s32 @!p1 $0x0  }
0x14: {  	s2 =	sld [smem:$0x3F99];
	s0 =	simm.s32 @p1 $0x1  }
0x15: {  	[smem:$0x3FB6] =	sst s0;
	s0 =	simm.s32 @!p2 $0x0  }
0x16: {  	s3 =	sld [smem:$0x3FDB];
	s0 =	simm.s32 @p2 $0x1  }
0x17: {  	s4 =	simm.s32 $0x1BF5;
	[smem:$0x3FB8] =	sst s0  }
0x18: {  	s0 =	sld [smem:$0x3F9B];
	_ =	swait.ge [sflag:s4], $0x0  }
0x19: {  	s7 =	sld [smem:$0x3F9C]  }
0x1a: {  	s8 =	sadd.s32 $0xFFFFE003, lr  }
0x1b: {  	s9 =	sadd.s32 $0xFFFFFEF7, lr;
	s5 =	simm.s32 $0xFFFFFFFF;
	p2 =	slt.u32 s8, $0xFFFFF086  }
0x1c: {  	p1 =	slt.u32 s9, $0xF7A;
	s5 =	simm.s32 @!p2 $0x0  }
0x1d: {  	s5 =	simm.s32 @p1 $0x1;
	p0 =	seq.s32 s7, s2  }
0x1e: {  	s7 =	smul.u32 @!p0 $0xF7A, s2;
	p2 =	seq.s32 @!p0 s5, $0x0  }
0x1f: {  	s9 =	smul.u32 $0xF7A, s1;
	s8 =	simm.s32 @!p0 $0x1BF5;
	p2 =	por !p2, p0  }
0x20: {  	[sflag:s8] =	ssyncset.s32 @!p0 $0xFFFFF086;
	s6 =	sadd.s32 @!p0 s3, s7;
	s7 =	simm.s32 @!p0 $0x108  }
0x21: {  	s3 =	sadd.s32 s3, s9;
	s6 =	sadd.s32 @!p0 $0x88, s6;
	s7 =	simm.s32 @p2 $0x1082  }
0x22: {  	[simem:s7], [sflag:s8] =	dma.local @!p0 [hbm:s6], $0xF7A  }
0x23: {  	s9 =	sor.u32 $0xD0000000, s2;
	s6 =	simm.s32 $0x108;
	_ =	swait.ge @!p0 [sflag:s8], $0x0  }
0x24: {  	s3 =	sadd.s32 $0x88, s3;
	s6 =	simm.s32 @!p1 $0x1082;
	[sflag:s4] =	ssyncset.s32 $0xFFFFF086  }
0x25: {  	[simem:s6], [sflag:s4] =	dma.local [hbm:s3], $0xF7A  }
0x26: {  	[smem:$0x3F9C] =	sst s1;
	(tag) =	ssettag s2;
	_ =	strace s9  }
0x27: {  	s1 =	sld [smem:$0x3FAC]  }
0x28: {  	s2 =	sld [smem:$0x3FAD]  }
0x29: {  	s4 =	sld [smem:$0x3FAF]  }
0x2a: {  	p0 =	seq.s32 s5, $0x0;
	s5 =	sld [smem:$0x3FB0]  }
0x2b: {  	s6 =	sld [smem:$0x3FB1]  }
0x2c: {  	s7 =	sld [smem:$0x3FB2]  }
0x2d: {  	s3 =	simm.s32 $0x108;
	s8 =	sld [smem:$0x3FB3]  }
0x2e: {  	s3 =	simm.s32 @!p0 $0x1082;
	s9 =	sld [smem:$0x3FB4]  }
0x2f: {  	lr =	sadd.s32 s0, s3;
	s0 =	sld [smem:$0x3FAB]  }
0x30: {  	s3 =	sld [smem:$0x3FAE]  }
0x31: {  	[smem:$0x3FB7] =	sst s10  }
0x32: {  	s10 =	sld [smem:$0x3FB5];
	_ =	sdelay $0x3  }
0x33: {  	p0 =	seq.s32 s10, $0x1;
	s10 =	sld [smem:$0x3FB7];
	_ =	sdelay $0x3  }
0x34: {  	[smem:$0x3FB7] =	sst s10  }
0x35: {  	s10 =	sld [smem:$0x3FB6];
	_ =	sdelay $0x3  }
0x36: {  	p1 =	seq.s32 s10, $0x1;
	s10 =	sld [smem:$0x3FB7];
	_ =	sdelay $0x3  }
0x37: {  	[smem:$0x3FB7] =	sst s10  }
0x38: {  	s10 =	sld [smem:$0x3FB8]  }
0x39: {  	_ = 	snop;
	(pc) =	sbr.ind lr, $3  }
0x3a: {  	_ = 	snop  }
0x3b: {  	_ = 	snop  }
0x3c: {  	p2 =	seq.s32 s10, $0x1;
	s10 =	sld [smem:$0x3FB7]  }
0x3d: {  	_ =	shalt  }
0x3e: {  	_ =	shalt  }
0x3f: {  	_ =	shalt  }
0x40: {  	_ =	shalt  }
0x41: {  	_ =	shalt  }
0x42: {  	_ =	shalt  }
0x43: {  	_ =	shalt  }
0x44: {  	_ =	shalt  }
0x45: {  	_ =	shalt  }
0x46: {  	_ =	shalt  }
0x47: {  	_ =	shalt  }
0x48: {  	_ =	shalt  }
0x49: {  	_ =	shalt  }
0x4a: {  	_ =	shalt  }
0x4b: {  	_ =	shalt  }
0x4c: {  	_ =	shalt  }
0x4d: {  	_ =	shalt  }
0x4e: {  	_ =	shalt  }
0x4f: {  	_ =	shalt  }
0x50: {  	_ =	shalt  }
0x51: {  	_ =	shalt  }
0x52: {  	_ =	shalt  }
0x53: {  	_ =	shalt  }
0x54: {  	_ =	shalt  }
0x55: {  	_ =	shalt  }
0x56: {  	_ =	shalt  }
0x57: {  	_ =	shalt  }
0x58: {  	_ =	shalt  }
0x59: {  	_ =	shalt  }
0x5a: {  	_ =	shalt  }
0x5b: {  	_ =	shalt  }
0x5c: {  	_ =	shalt  }
0x5d: {  	_ =	shalt  }
0x5e: {  	_ =	shalt  }
0x5f: {  	_ =	shalt  }
0x60: {  	_ =	shalt  }
0x61: {  	_ =	shalt  }
0x62: {  	_ =	shalt  }
0x63: {  	_ =	shalt  }
0x64: {  	_ =	shalt  }
0x65: {  	_ =	shalt  }
0x66: {  	_ =	shalt  }
0x67: {  	_ =	shalt  }
0x68: {  	_ =	shalt  }
0x69: {  	_ =	shalt  }
0x6a: {  	_ =	shalt  }
0x6b: {  	_ =	shalt  }
0x6c: {  	_ =	shalt  }
0x6d: {  	_ =	shalt  }
0x6e: {  	_ =	shalt  }
0x6f: {  	_ =	shalt  }
0x70: {  	_ =	shalt  }
0x71: {  	_ =	shalt  }
0x72: {  	_ =	shalt  }
0x73: {  	_ =	shalt  }
0x74: {  	_ =	shalt  }
0x75: {  	_ =	shalt  }
0x76: {  	_ =	shalt  }
0x77: {  	_ =	shalt  }
0x78: {  	_ =	shalt  }
0x79: {  	_ =	shalt  }
0x7a: {  	_ =	shalt  }
0x7b: {  	_ =	shalt  }
0x7c: {  	_ =	shalt  }
0x7d: {  	_ =	shalt  }
0x7e: {  	_ =	shalt  }
0x7f: {  	_ =	shalt  }
0x80: {  	_ =	shalt  }
0x81: {  	_ =	shalt  }
0x82: {  	_ =	shalt  }
0x83: {  	_ =	shalt  }
0x84: {  	_ =	shalt  }
0x85: {  	_ =	shalt  }
0x86: {  	_ =	shalt  }
0x87: {  	_ =	shalt  }
.Lfunc_end0:
.L_simem_size_0:
called_computation_lowered:
.L_overlay_start_0:
0x88: {  	s2 =	sld [smem:$0x3FD9]  }
0x89: {  	s3 =	sld [smem:$0x3FFE];
	_ =	sdelay $0x1  }
0x8a: {  	s1 =	srdreg.scid  }
0x8b: {  	s0 =	sand.u32 $0x1, s1  }
0x8c: {  	s18 =	sshll.u32 s0, $0xA;
	s2 =	sadd.s32 s3, s2  }
0x8d: {  	s2 =	sadd.s32 s2, s18  }
0x8e: {  	[smem:$0x3FC3] =	sst s2  }
0x8f: {  	_ = 	snop  }
0x90: {  	s2 =	sld [smem:$0x3FC9]  }
0x91: {  	s19 =	sld [smem:$0x3FC8]  }
0x92: {  	s4 =	sld [smem:$0x3FC7]  }
0x93: {  	s5 =	sld [smem:$0x3FC6]  }
0x94: {  	s6 =	sld [smem:$0x3FC5]  }
0x95: {  	s7 =	sld [smem:$0x3FD0];
	(tm) =	ssettm $0x1  }
0x96: {  	s8 =	sld [smem:$0x3FFB];
	_ =	sdelay $0x3  }
0x97: {  	_ =	strace s8  }
0x98: {  	s8 =	sld [smem:$0x3FFC];
	_ =	sdelay $0x3  }
0x99: {  	_ =	strace s8  }
0x9a: {  	s8 =	sld [smem:$0x3FFD];
	_ =	sdelay $0x3  }
0x9b: {  	_ =	strace s8  }
0x9c: {  	_ =	strace $0x8FFFFFFF  }
0x9d: {  	s20 =	sld [smem:$0x3FDB];
	_ =	sdelay $0x1  }
0x9e: {  	s9 =	simm.s32 $_scs_section_size  }
0x9f: {  	s10 =	simm.s32 $_size__tile_overlayer_lowered;
	s11 =	simm.s32 $_tile_overlayer_lowered  }
0xa0: {  	s23 =	simm.s32 $0x1BFF;
	s22 =	sshll.u32 s11, $0x1;
	s8 =	sadd.s32 s9, s20  }
0xa1: {  	s12 =	simm.s32 $0x0;
	s21 =	sshll.u32 s10, $0x1;
	s10 =	sadd.s32 s22, s8  }
0xa2: {  	[timem:s12], [sflag:s23] =	dma.local [hbm:s10], s21  }
0xa3: {  	_ =	swait.ge [sflag:s23], s21  }
0xa4: {  	s9 =	ssub.s32 $0x0, s21;
	[sflag:s23] =	ssyncset.done $0x0  }
0xa5: {  	[sflag:s23] =	ssyncadd.s32 s9;
	_ =	sdelay $0x1  }
0xa6: {  	s24 =	simm.s32 $0x1B8B  }
0xa7: {  	_ =	swait.ge [sflag:s24], $0x1  }
0xa8: {  	[sflag:s24] =	ssyncset.done $0x0  }
0xa9: {  	s25 =	simm.s32 $0x1B8E;
	[sflag:s24] =	ssyncadd.s32 $0xFFFFFFFF  }
0xaa: {  	s26 =	simm.s32 $execute0_lowered;
	[smem:$0x3FD2] =	sst s25  }
0xab: {  	s9 =	sshll.u32 s26, $0x1;
	_ =	strace $0x80000046;
	[dreg:$0x1] =	wrdreg $0xFFFFFFFF  }
0xac: {  	s28 =	simm.s32 $_size_execute0_lowered;
	s8 =	sadd.s32 s8, s9;
	[dreg:$0x0] =	wrdreg $0x0  }
0xad: {  	s9 =	sshll.u32 s28, $0x1;
	[dreg:$0x2] =	wrdreg s8  }
0xae: {  	[dreg:$0x3] =	wrdreg s9  }
0xaf: {  	[dreg:$0x4] =	wrdreg $0xC0  }
0xb0: {  	_ =	task [dreg:s12], $0x5FFFF  }
0xb1: {  	[dreg:$0x1] =	wrdreg $0xFFFFFFFF  }
0xb2: {  	[dreg:$0x0] =	wrdreg $0x60  }
0xb3: {  	[dreg:$0x2] =	wrdreg s2  }
0xb4: {  	[dreg:$0x3] =	wrdreg s19  }
0xb5: {  	[dreg:$0x4] =	wrdreg s4  }
0xb6: {  	[dreg:$0x5] =	wrdreg s5  }
0xb7: {  	[dreg:$0x6] =	wrdreg s6  }
0xb8: {  	[dreg:$0x7] =	wrdreg s7  }
0xb9: {  	[dreg:$0x8] =	wrdreg $0xA4800  }
0xba: {  	[dreg:$0x9] =	wrdreg $0xA5200  }
0xbb: {  	[dreg:$0xa] =	wrdreg $0x9  }
0xbc: {  	_ =	task.clear_ibuf [dreg:s12], $0xBFFFF;
	_ =	strace $0x90000046  }
0xbd: {  	s29 =	simm.s32 $0x9;
	_ =	strace $0x80000048  }
0xbe: {  	_ =	swait.ge [sflag:s29], $0x1  }
0xbf: {  	[sflag:s29] =	ssyncadd.s32 $0xFFFFFFFF  }
0xc0: {  	_ =	strace $0x90000048  }
0xc1: {  	_ =	sfence  }
0xc2: {  	s30 =	sld [smem:$0x0];
	_ =	sdelay $0x2  }
0xc3: {  	s31 =	sshll.u32 s1, $0xD;
	s1 =	sshrl.u32 s1, $0x2  }
0xc4: {  	s3 =	sand.u32 $0x4000, s31;
	s1 =	sadd.s32 s1, s30  }
0xc5: {  	s0 =	sor.u32 s3, s0;
	s1 =	sshll.u32 s1, $0x11  }
0xc6: {  	s0 =	sor.u32 s1, s0  }
0xc7: {  	s0 =	sadd.s32 $0x8F2B, s0  }
0xc8: {  	[sflag:s0] =	ssyncadd.remote.s32 $0x1  }
0xc9: {  	_ =	sfence.sel $0xFFFF  }
0xca: {  	[dreg:$0x0] =	wrdreg $0xFFFFFFFF;
	(pc) =	sbr.abs _section_cstart, $3  }
0xcb: {  	[dreg:$0x1] =	wrdreg $0xFFFFFFFF  }
0xcc: {  	_ =	task.clear_ibuf [dreg:s12], $0x2FFFF;
	_ =	strace $0x9FFFFFFF  }
0xcd: {  	(tm) =	ssettm $0x7FFFFFFF  }
tec
execute0_lowered:
.L_overlay_start_1:
0x0: {  	(tag) =	ssettag $0x1  }
0x1: {  	s0 =	rddreg [dreg:$0x0]  }
0x2: {  	s1 =	rddreg [dreg:$0x1]  }
0x3: {  	s2 =	rddreg [dreg:$0x2]  }
0x4: {  	s4 =	rddreg [dreg:$0x3]  }
0x5: {  	s3 =	rddreg [dreg:$0x5]  }
0x6: {  	s6 =	rddreg [dreg:$0x6]  }
0x7: {  	s7 =	rddreg [dreg:$0x7]  }
0x8: {  	s8 =	simm.s32 $0x0;
	s5 =	srdreg.scid;
	s14 =	stileid.u32  }
0x9: {  	s30 =	simm.s32 $0x480;
	s31 =	simm.s32 $0x5;
	[smem:$0x7FF] =	sst s8  }
0xa: {  	s5 =	sand.u32 $0x1, s5;
	s9 =	smul.u32 $0x4E000, s14;
	s11 =	sshll.u32 s14, $0x1  }
0xb: {  	s13 =	smul.u32 $0x13800, s14;
	p0 =	sne.s32 s14, $0x0;
	p1 =	sne.s32 s14, $0xF  }
0xc: {  	s29 =	sadd.s32 $0x138000, s7;
	s10 =	ssub.s32 $0x2, s5;
	s11 =	sor.u32 s5, s11  }
0xd: {  	s5 =	smul.u32 $0x138800, s5;
	s12 =	sshrl.u32 s10, $0x1;
	s9 =	sshrl.u32 s9, $0x2  }
0xe: {  	s12 =	ssub.s32 s10, s12;
	s10 =	smul.u32 $0x2710, s11;
	s11 =	sadd.s32 s9, s7  }
0xf: {  	_ =	strace $0x80000047;
	s13 =	sadd.s32 s13, s5;
	s9 =	sadd.s32 $0x2800, s11  }
0x10: {  	s5 =	sshrl.u32 s5, $0x3;
	s19 =	sadd.s32 $0x5000, s11;
	[dreg:$0x9] =	wrdreg s9  }
0x11: {  	s20 =	sadd.s32 $0x7800, s11;
	s15 =	sadd.s32 $0xA000, s11;
	[dreg:$0xa] =	wrdreg s19  }
0x12: {  	s22 =	sadd.s32 $0xC800, s11;
	s13 =	sshrl.u32 s13, $0x3;
	[dreg:$0xb] =	wrdreg s20  }
0x13: {  	s28 =	sadd.s32 $0x11800, s11;
	s21 =	sshrl.u32 s10, $0x3;
	[dreg:$0xc] =	wrdreg s15  }
0x14: {  	[dreg:$0xd] =	wrdreg s22;
	s23 =	sadd.s32 s1, s21;
	s24 =	sadd.s32 s2, s21  }
0x15: {  	s25 =	sadd.s32 s4, s21;
	s9 =	sadd.s32 $0xA, s21;
	[dreg:$0xe] =	wrdreg s23  }
0x16: {  	s21 =	sadd.s32 s3, s13;
	s3 =	sadd.s32 s3, s5;
	[dreg:$0xf] =	wrdreg s24  }
0x17: {  	s13 =	simm.s32 $0x4;
	[dreg:$0x10] =	wrdreg s25;
	s26 =	sadd.s32 s1, s9  }
0x18: {  	s22 =	sadd.s32 s2, s9;
	s23 =	sadd.s32 s4, s9;
	s24 =	sadd.s32 $0x27000, s3  }
0x19: {  	s25 =	smax.u32 s12, $0x1;
	s3 =	simm.s32 @!p0 $0x0;
	s9 =	simm.s32 $0x1  }
0x1a: {  	s12 =	simm.s32 $0x2;
	[dreg:$0x11] =	wrdreg s26;
	s3 =	simm.s32 @p0 $0x1  }
0x1b: {  	v0 =	vimm.f32 $0.0e+00;
	s26 =	sadd.s32 $0xF000, s11;
	[smem:$0x7FD] =	sst s3;
	s3 =	simm.s32 $0x50  }
.LBB2_1:
0x1c: {  	s5 =	sld [smem:$0x7FD];
	_ =	sdelay $0x2  }
0x1d: {  	p0 =	seq.s32 s5, $0x1  }
0x1e: {  	s15 =	rddreg [dreg:$0x4];
	s5 =	sshrl.u32 @!p0 s6, $0x3;
	s14 =	simm.s32 @!p0 $0x1C05  }
0x1f: {  	[spmem:s5], [sflag:s14] =	dma.local @!p0 [hbm:s15], $0x140  }
0x20: {  	s5 =	simm.s32 @!p0 $0x5  }
0x21: {  	_ =	swait.ge @!p0 [sflag:s5], $0x140  }
0x22: {  	[sflag:s5] =	ssyncset.done @!p0 $0x0  }
0x23: {  	s14 =	simm.s32 $0x200;
	[sflag:s5] =	ssyncadd.s32 @!p0 $0xFFFFFEC0;
	s5 =	simm.s32 $0x0  }
.LBB2_2:
0x24: {  	p2 =	sne.s32 s14, $0x9E00;
	[tilespmem:s5+$0x4F0] =	vst v0  }
0x25: {  	[tilespmem:s5+$0x480] =	vst v0  }
0x26: {  	[tilespmem:s5+$0x490] =	vst v0  }
.Ltmp0:
0x27: {  	[tilespmem:s5+$0x4A0] =	vst v0;
	(pc) =	sbr.rel @p2 .LBB2_2-.Ltmp0, $4  }
0x28: {  	[tilespmem:s5+$0x4B0] =	vst v0  }
0x29: {  	[tilespmem:s5+$0x4C0] =	vst v0  }
0x2a: {  	[tilespmem:s5+$0x4D0] =	vst v0  }
0x2b: {  	[tilespmem:s5+$0x4E0] =	vst v0;
	s5 =	sshra.s32 s14, $0x2;
	s14 =	sadd.s32 $0x200, s14  }
0x2c: {  	[tilespmem:s5+$0x4F0] =	vst v0  }
0x2d: {  	[tilespmem:s5+$0x480] =	vst v0  }
0x2e: {  	[tilespmem:s5+$0x490] =	vst v0  }
0x2f: {  	[tilespmem:s5+$0x4A0] =	vst v0  }
0x30: {  	[tilespmem:s5+$0x4B0] =	vst v0  }
0x31: {  	[tilespmem:s5+$0x4C0] =	vst v0  }
0x32: {  	[tilespmem:s5+$0x4D0] =	vst v0  }
0x33: {  	[tilespmem:s5+$0x4E0] =	vst v0  }
0x34: {  	[spmem:s11] =	stream.linear.scatter [tilespmem:s30], [sflag:$0x5], $0x2800, $0x38;
	[tilespmem:$0x1DDA0] =	vst v63  }
0x35: {  	_ =	swait.ge [sflag:s31], $0x2800  }
0x36: {  	[sflag:s31] =	ssyncset.done $0x0  }
0x37: {  	s15 =	rddreg [dreg:$0x9];
	[sflag:s31] =	ssyncadd.s32 $0xFFFFD800  }
0x38: {  	[spmem:s15] =	stream.linear.scatter [tilespmem:s30], [sflag:$0x5], $0x2800, $0x38;
	[tilespmem:$0x1DDA0] =	vst v63  }
0x39: {  	_ =	swait.ge [sflag:s31], $0x2800  }
0x3a: {  	[sflag:s31] =	ssyncset.done $0x0  }
0x3b: {  	s16 =	rddreg [dreg:$0xa];
	[sflag:s31] =	ssyncadd.s32 $0xFFFFD800  }
0x3c: {  	[spmem:s16] =	stream.linear.scatter [tilespmem:s30], [sflag:$0x5], $0x2800, $0x38;
	[tilespmem:$0x1DDA0] =	vst v63  }
0x3d: {  	_ =	swait.ge [sflag:s31], $0x2800  }
0x3e: {  	[sflag:s31] =	ssyncset.done $0x0  }
0x3f: {  	s17 =	rddreg [dreg:$0xb];
	[sflag:s31] =	ssyncadd.s32 $0xFFFFD800  }
0x40: {  	[spmem:s17] =	stream.linear.scatter [tilespmem:s30], [sflag:$0x5], $0x2800, $0x38;
	[tilespmem:$0x1DDA0] =	vst v63  }
0x41: {  	_ =	swait.ge [sflag:s31], $0x2800  }
0x42: {  	[sflag:s31] =	ssyncset.done $0x0  }
0x43: {  	s18 =	rddreg [dreg:$0xc];
	[sflag:s31] =	ssyncadd.s32 $0xFFFFD800  }
0x44: {  	[spmem:s18] =	stream.linear.scatter [tilespmem:s30], [sflag:$0x5], $0x2800, $0x38;
	[tilespmem:$0x1DDA0] =	vst v63  }
0x45: {  	_ =	swait.ge [sflag:s31], $0x2800  }
0x46: {  	[sflag:s31] =	ssyncset.done $0x0  }
0x47: {  	s19 =	rddreg [dreg:$0xd];
	[sflag:s31] =	ssyncadd.s32 $0xFFFFD800  }
0x48: {  	[spmem:s19] =	stream.linear.scatter [tilespmem:s30], [sflag:$0x5], $0x2800, $0x38;
	[tilespmem:$0x1DDA0] =	vst v63  }
0x49: {  	_ =	swait.ge [sflag:s31], $0x2800  }
0x4a: {  	[sflag:s31] =	ssyncset.done $0x0  }
0x4b: {  	[sflag:s31] =	ssyncadd.s32 $0xFFFFD800  }
0x4c: {  	[spmem:s26] =	stream.linear.scatter [tilespmem:s30], [sflag:$0x5], $0x2800, $0x38;
	[tilespmem:$0x1DDA0] =	vst v63  }
0x4d: {  	_ =	swait.ge [sflag:s31], $0x2800  }
0x4e: {  	[sflag:s31] =	ssyncset.done $0x0  }
0x4f: {  	[sflag:s31] =	ssyncadd.s32 $0xFFFFD800  }
0x50: {  	[spmem:s28] =	stream.linear.scatter [tilespmem:s30], [sflag:$0x5], $0x2000, $0x38;
	[tilespmem:$0x1DDA0] =	vst v63  }
0x51: {  	_ =	swait.ge [sflag:s31], $0x2000  }
0x52: {  	[sflag:s31] =	ssyncset.done $0x0  }
0x53: {  	s5 =	simm.s32 @!p1 $0x480;
	[sflag:s31] =	ssyncadd.s32 $0xFFFFE000  }
0x54: {  	[spmem:s29] =	stream.linear.scatter @!p1 [tilespmem:s5], [sflag:$0x5], $0x800, $0x38;
	[tilespmem:$0x1DDA0] =	vst v63  }
0x55: {  	s5 =	simm.s32 @!p1 $0x5  }
0x56: {  	_ =	swait.ge @!p1 [sflag:s5], $0x800  }
0x57: {  	[sflag:s5] =	ssyncset.done @!p1 $0x0  }
0x58: {  	[sflag:s5] =	ssyncadd.s32 @!p1 $0xFFFFF800  }
0x59: {  	[bflag:$0x0] =	sbarrier.arrive $0xFFFF  }
0x5a: {  	s5 =	simm.s32 $0x0;
	s14 =	rddreg [dreg:$0xe]  }
0x5b: {  	[tilespmem:s5], [sflag:$0x5] =	stream.linear.gather [hbm4b:s14+s5], $0x50, $0x38;
	[tilespmem:$0x1DDA0] =	vst v63  }
0x5c: {  	_ =	swait.ge [sflag:s31], $0x50  }
0x5d: {  	[sflag:s31] =	ssyncset.done $0x0  }
0x5e: {  	s15 =	simm.s32 $0x180;
	s20 =	rddreg [dreg:$0xf];
	[sflag:s31] =	ssyncadd.s32 $0xFFFFFFB0  }
0x5f: {  	[tilespmem:s15], [sflag:$0x5] =	stream.linear.gather [hbm4b:s20+s5], $0x50, $0x38;
	[tilespmem:$0x1DDA0] =	vst v63  }
0x60: {  	_ =	swait.ge [sflag:s31], $0x50  }
0x61: {  	[sflag:s31] =	ssyncset.done $0x0  }
0x62: {  	s15 =	simm.s32 $0x300;
	s16 =	rddreg [dreg:$0x10];
	[sflag:s31] =	ssyncadd.s32 $0xFFFFFFB0  }
0x63: {  	[tilespmem:s15], [sflag:$0x5] =	stream.linear.gather [hbm4b:s16+s5], $0x50, $0x38;
	[tilespmem:$0x1DDA0] =	vst v63  }
0x64: {  	_ =	swait.ge [sflag:s31], $0x50  }
0x65: {  	[sflag:s31] =	ssyncset.done $0x0  }
0x66: {  	s16 =	simm.s32 $0x80;
	s17 =	rddreg [dreg:$0x11];
	[sflag:s31] =	ssyncadd.s32 $0xFFFFFFB0  }
0x67: {  	[tilespmem:s16], [sflag:$0x5] =	stream.linear.gather [hbm4b:s17+s5], $0x50, $0x38;
	[tilespmem:$0x1DDA0] =	vst v63  }
0x68: {  	_ =	swait.ge [sflag:s31], $0x50  }
0x69: {  	[sflag:s31] =	ssyncset.done $0x0  }
0x6a: {  	s18 =	simm.s32 $0x200;
	[sflag:s31] =	ssyncadd.s32 $0xFFFFFFB0  }
0x6b: {  	[tilespmem:s18], [sflag:$0x5] =	stream.linear.gather [hbm4b:s22+s5], $0x50, $0x38;
	[tilespmem:$0x1DDA0] =	vst v63  }
0x6c: {  	_ =	swait.ge [sflag:s31], $0x50  }
0x6d: {  	[sflag:s31] =	ssyncset.done $0x0  }
0x6e: {  	s19 =	simm.s32 $0x380;
	[sflag:s31] =	ssyncadd.s32 $0xFFFFFFB0  }
0x6f: {  	[tilespmem:s19], [sflag:$0x5] =	stream.linear.gather [hbm4b:s23+s5], $0x50, $0x38;
	[tilespmem:$0x1DDA0] =	vst v63  }
0x70: {  	_ =	swait.ge [sflag:s31], $0x50  }
0x71: {  	[sflag:s31] =	ssyncset.done $0x0  }
0x72: {  	[sflag:s31] =	ssyncadd.s32 $0xFFFFFFB0  }
0x73: {  	[tilespmem:s30], [sflag:$0x1] =	stream.indirect.gather [hbm4b:s0+s3], $0x80, s5, s3, $0xb8;
	[tilespmem:$0x1DDA0] =	vst v63  }
0x74: {  	s20 =	simm.s32 $0x5480  }
0x75: {  	[tilespmem:s20], [sflag:$0x2] =	stream.indirect.gather [spmem:s6], $0x80, s15, s3, $0xb8;
	[tilespmem:$0x1DDA0] =	vst v63  }
0x76: {  	_ =	swait.ge [sflag:s9], $0x2800  }
0x77: {  	[sflag:s9] =	ssyncset.done $0x0  }
0x78: {  	[sflag:s9] =	ssyncadd.s32 $0xFFFFD800  }
0x79: {  	_ =	swait.ge [sflag:s12], $0x2800  }
0x7a: {  	[sflag:s12] =	ssyncset.done $0x0  }
0x7b: {  	p2 =	por $0x0, $0x0;
	[sflag:s12] =	ssyncadd.s32 $0xFFFFD800  }
.LBB2_4:
0x7c: {  	p3 =	seq.s32 s5, $0x0  }
0x7d: {  	p4 =	seq.s32 @!p3 s5, $0x7C  }
0x7e: {  	p4 =	por p3, !p4  }
.Ltmp1:
0x7f: {  	_ = 	snop;
	(pc) =	sbr.rel @p4 .LBB2_6-.Ltmp1, $4  }
0x80: {  	s15 =	simm.s32 @!p3 $0x4  }
0x81: {  	_ =	swait.ge @!p3 [sflag:s15], $0x2800  }
0x82: {  	[sflag:s15] =	ssyncset.done @!p3 $0x0  }
0x83: {  	s14 =	sadd.s32 $0x1, s5;
	s17 =	smul.u32 $0xAB, s5;
	[sflag:s15] =	ssyncadd.s32 @!p3 $0xFFFFD800  }
.Ltmp2:
0x84: {  	(pc) =	sbr.rel .LBB2_7-.Ltmp2, $2  }
0x85: {  	_ =	sdelay $0x2  }
0x86: {  	p4 =	por @!p3 $0x1, $0x1;
	p3 =	por @!p3 $0x0, $0x0  }
.LBB2_6:
0x87: {  	_ = 	snop  }
0x88: {  	s15 =	sadd.s32 $0xAB, s17  }
0x89: {  	s15 =	sshrl.u32 s15, $0x9  }
0x8a: {  	s15 =	sand.u32 $0x7F, s15  }
0x8b: {  	s16 =	sand.u32 $0x1, s14;
	s15 =	smul.u32 $0x3, s15  }
0x8c: {  	p5 =	sgt.u32 s5, $0x7A;
	p4 =	por $0x0, $0x0;
	s18 =	sadd.s32 $0x156, s17  }
0x8d: {  	p3 =	seq.s32 s16, $0x1;
	s16 =	simm.s32 $0x2800;
	s15 =	ssub.s32 s14, s15  }
0x8e: {  	s18 =	sshrl.u32 s18, $0x9;
	s16 =	simm.s32 @!p3 $0x0;
	s15 =	sand.u32 $0xFF, s15  }
0x8f: {  	s18 =	sand.u32 $0x7F, s18;
	s19 =	sor.u32 $0x480, s16;
	s15 =	sshll.u32 s15, $0x7  }
0x90: {  	[tilespmem:s19], [sflag:$0x1] =	stream.indirect.gather [hbm4b:s0+s3], $0x80, s15, s3, $0xb8;
	[tilespmem:$0x1DDA0] =	vst v63  }
0x91: {  	p6 =	por @!p5 $0x0, $0x0;
	s18 =	smul.u32 $0x3, s18;
	s19 =	sadd.s32 $0x2, s5  }
0x92: {  	s16 =	sor.u32 $0x5480, s16;
	s15 =	sadd.s32 $0x300, s15;
	s20 =	smul.u32 @!p5 $0x50, s19  }
0x93: {  	[tilespmem:s16], [sflag:$0x2] =	stream.indirect.gather [spmem:s6], $0x80, s15, s3, $0xb8;
	[tilespmem:$0x1DDA0] =	vst v63  }
0x94: {  	p0 =	por @!p5 $0x1, $0x1;
	s19 =	ssub.s32 s19, s18;
	s16 =	sadd.s32 @!p5 s10, s20  }
0x95: {  	p3 =	por $0x0, $0x0;
	s15 =	sand.u32 $0xFF, s19;
	s16 =	sshrl.u32 @!p5 s16, $0x3  }
0x96: {  	s19 =	simm.s32 @!p5 $0x0;
	s15 =	sshll.u32 @!p5 s15, $0x7;
	s18 =	sadd.s32 @!p5 s1, s16  }
0x97: {  	[tilespmem:s15], [sflag:$0x3] =	stream.linear.gather @!p5 [hbm4b:s18+s19], $0x50, $0x38;
	[tilespmem:$0x1DDA0] =	vst v63  }
0x98: {  	p4 =	por @!p5 p6, p6;
	s20 =	sadd.s32 @!p5 s2, s16;
	s18 =	sadd.s32 @!p5 $0x180, s15  }
0x99: {  	[tilespmem:s18], [sflag:$0x3] =	stream.linear.gather @!p5 [hbm4b:s20+s19], $0x50, $0x38;
	[tilespmem:$0x1DDA0] =	vst v63  }
0x9a: {  	p3 =	por @!p5 p0, p0;
	s16 =	sadd.s32 @!p5 s4, s16;
	s15 =	sadd.s32 @!p5 $0x300, s15  }
0x9b: {  	[tilespmem:s15], [sflag:$0x3] =	stream.linear.gather @!p5 [hbm4b:s16+s19], $0x50, $0x38;
	[tilespmem:$0x1DDA0] =	vst v63  }
.LBB2_7:
0x9c: {  	s15 =	simm.s32 $0x1  }
0x9d: {  	s15 =	simm.s32 @!p2 $0x0  }
0x9e: {  	s15 =	smul.u32 $0xA000, s15;
	_ =	sdelay $0x1  }
0x9f: {  	s16 =	sshrl.u32 s15, $0x2  }
0xa0: {  	s15 =	sor.u32 $0x680, s16  }
0xa1: {  	s16 =	sadd.s32 $0x5680, s16;
	v1 =	vld [tilespmem:s15+$0x180]  }
0xa2: {  	v2 =	vld [tilespmem:s16+$0x180]  }
0xa3: {  	v3 =	vld [tilespmem:s15+$0xFFFFFE80]  }
0xa4: {  	v5 =	vld [tilespmem:s16+$0xFFFFFE80]  }
0xa5: {  	v6 =	vld [tilespmem:s15+$0xFFFFFF00]  }
0xa6: {  	v7 =	vld [tilespmem:s16+$0xFFFFFF00]  }
0xa7: {  	v8 =	vld [tilespmem:s15+$0xFFFFFF80]  }
0xa8: {  	v9 =	vld [tilespmem:s16+$0xFFFFFF80]  }
0xa9: {  	v10 =	vld [tilespmem:s16+$0x0]  }
0xaa: {  	v11 =	vld [tilespmem:s15+$0x80]  }
0xab: {  	v44 =	vld [tilespmem:s15+$0xFFFFFE90]  }
0xac: {  	v13 =	vld [tilespmem:s15+$0xFFFFFF10]  }
0xad: {  	v14 =	vld [tilespmem:s15+$0x90]  }
0xae: {  	v45 =	vld [tilespmem:s15+$0x110]  }
0xaf: {  	v46 =	vld [tilespmem:s15+$0xFFFFFF20]  }
0xb0: {  	v47 =	vld [tilespmem:s15+$0xFFFFFFA0]  }
0xb1: {  	v48 =	vld [tilespmem:s15+$0xA0]  }
0xb2: {  	v49 =	vld [tilespmem:s15+$0xFFFFFF30];
	v1 =	vadd.f32 v2, v1  }
0xb3: {  	v50 =	vld [tilespmem:s15+$0xFFFFFFB0]  }
0xb4: {  	v51 =	vld [tilespmem:s15+$0x30];
	v1 =	vmax.f32 v1, $0.0e+00  }
0xb5: {  	[tilespmem:s15+$0x180] =	vst v1;
	v1 =	vld [tilespmem:s15+$0x190]  }
0xb6: {  	v4 =	vld [tilespmem:s16+$0x190]  }
0xb7: {  	v52 =	vld [tilespmem:s15+$0xFFFFFE40]  }
0xb8: {  	v54 =	vld [tilespmem:s15+$0xFFFFFFC0]  }
0xb9: {  	v55 =	vld [tilespmem:s15+$0xC0]  }
0xba: {  	v56 =	vld [tilespmem:s15+$0xFFFFFE50]  }
0xbb: {  	v57 =	vld [tilespmem:s15+$0xFFFFFFD0];
	v1 =	vadd.f32 v4, v1  }
0xbc: {  	v58 =	vld [tilespmem:s15+$0xD0]  }
0xbd: {  	v2 =	vld [tilespmem:s16+$0xFFFFFE00];
	v1 =	vmax.f32 v1, $0.0e+00  }
0xbe: {  	[tilespmem:s15+$0x190] =	vst v1;
	v1 =	vld [tilespmem:s15+$0x1A0]  }
0xbf: {  	v12 =	vld [tilespmem:s16+$0x1A0]  }
0xc0: {  	v3 =	vadd.f32 v5, v3;
	v5 =	vld [tilespmem:s16+$0x80]  }
0xc1: {  	v8 =	vadd.f32 v9, v8;
	v9 =	vld [tilespmem:s15+$0xFFFFFE00]  }
0xc2: {  	v6 =	vadd.f32 v7, v6;
	v7 =	vld [tilespmem:s15+$0x100]  }
0xc3: {  	v3 =	vmax.f32 v3, $0.0e+00;
	v4 =	vld [tilespmem:s15+$0x0]  }
0xc4: {  	[tilespmem:s15+$0xFFFFFE80] =	vst v3;
	v3 =	vmax.f32 v6, $0.0e+00;
	v6 =	vld [tilespmem:s16+$0x100];
	v1 =	vadd.f32 v12, v1  }
0xc5: {  	[tilespmem:s15+$0xFFFFFF00] =	vst v3;
	v3 =	vmax.f32 v8, $0.0e+00;
	v8 =	vld [tilespmem:s16+$0xFFFFFE90];
	v5 =	vadd.f32 v5, v11  }
0xc6: {  	v2 =	vadd.f32 v2, v9;
	v11 =	vld [tilespmem:s15+$0xFFFFFE10];
	v1 =	vmax.f32 v1, $0.0e+00  }
0xc7: {  	[tilespmem:s15+$0x1A0] =	vst v1;
	v1 =	vmax.f32 v5, $0.0e+00;
	v5 =	vld [tilespmem:s15+$0x1B0]  }
0xc8: {  	v4 =	vadd.f32 v10, v4;
	[tilespmem:s15+$0x80] =	vst v1;
	v1 =	vmax.f32 v2, $0.0e+00;
	v2 =	vld [tilespmem:s16+$0x1B0]  }
0xc9: {  	[tilespmem:s15+$0xFFFFFF80] =	vst v3;
	v6 =	vadd.f32 v6, v7;
	v7 =	vld [tilespmem:s15+$0x10]  }
0xca: {  	v3 =	vmax.f32 v4, $0.0e+00;
	v4 =	vld [tilespmem:s16+$0xFFFFFF10];
	[tilespmem:s15+$0xFFFFFE00] =	vst v1  }
0xcb: {  	v1 =	vld [tilespmem:s16+$0xFFFFFE10]  }
0xcc: {  	[tilespmem:s15+$0x0] =	vst v3;
	v3 =	vld [tilespmem:s16+$0xFFFFFF90]  }
0xcd: {  	v9 =	vld [tilespmem:s16+$0x10];
	v2 =	vadd.f32 v2, v5  }
0xce: {  	v5 =	vld [tilespmem:s15+$0xFFFFFF90]  }
0xcf: {  	v10 =	vld [tilespmem:s16+$0x90];
	v2 =	vmax.f32 v2, $0.0e+00  }
0xd0: {  	v1 =	vadd.f32 v1, v11;
	[tilespmem:s15+$0x1B0] =	vst v2;
	v2 =	vmax.f32 v6, $0.0e+00;
	v6 =	vld [tilespmem:s15+$0x1C0]  }
0xd1: {  	[tilespmem:s15+$0x100] =	vst v2;
	v2 =	vadd.f32 v8, v44;
	v8 =	vld [tilespmem:s16+$0x1C0]  }
0xd2: {  	v4 =	vadd.f32 v4, v13;
	v1 =	vmax.f32 v1, $0.0e+00;
	v11 =	vld [tilespmem:s16+$0x110]  }
0xd3: {  	v59 =	vld [tilespmem:s15+$0xFFFFFE60];
	[tilespmem:s15+$0xFFFFFE10] =	vst v1;
	v1 =	vmax.f32 v2, $0.0e+00;
	v2 =	vadd.f32 v3, v5  }
0xd4: {  	v60 =	vld [tilespmem:s15+$0xFFFFFFE0];
	[tilespmem:s15+$0xFFFFFE90] =	vst v1;
	v1 =	vmax.f32 v4, $0.0e+00;
	v4 =	vadd.f32 v9, v7  }
0xd5: {  	v61 =	vld [tilespmem:s15+$0xE0];
	[tilespmem:s15+$0xFFFFFF10] =	vst v1;
	v1 =	vmax.f32 v2, $0.0e+00;
	v2 =	vadd.f32 v10, v14  }
0xd6: {  	v3 =	vld [tilespmem:s16+$0xFFFFFE20];
	[tilespmem:s15+$0xFFFFFF90] =	vst v1;
	v1 =	vmax.f32 v4, $0.0e+00;
	v4 =	vadd.f32 v8, v6  }
0xd7: {  	v5 =	vld [tilespmem:s16+$0xFFFFFEA0];
	[tilespmem:s15+$0x10] =	vst v1;
	v1 =	vmax.f32 v2, $0.0e+00;
	v2 =	vadd.f32 v11, v45  }
0xd8: {  	v10 =	vld [tilespmem:s15+$0xFFFFFE20];
	[tilespmem:s15+$0x90] =	vst v1;
	v1 =	vmax.f32 v4, $0.0e+00  }
0xd9: {  	[tilespmem:s15+$0x1C0] =	vst v1;
	v1 =	vmax.f32 v2, $0.0e+00;
	v2 =	vld [tilespmem:s15+$0x1D0]  }
0xda: {  	[tilespmem:s15+$0x110] =	vst v1;
	v1 =	vld [tilespmem:s16+$0x1D0]  }
0xdb: {  	v7 =	vld [tilespmem:s16+$0xFFFFFF20]  }
0xdc: {  	v6 =	vld [tilespmem:s16+$0xFFFFFFA0]  }
0xdd: {  	v11 =	vld [tilespmem:s15+$0xFFFFFEA0]  }
0xde: {  	v8 =	vld [tilespmem:s16+$0x20];
	v3 =	vadd.f32 v3, v10  }
0xdf: {  	v4 =	vld [tilespmem:s16+$0xA0];
	v1 =	vadd.f32 v1, v2  }
0xe0: {  	v10 =	vld [tilespmem:s15+$0x120];
	v3 =	vmax.f32 v3, $0.0e+00  }
0xe1: {  	[tilespmem:s15+$0xFFFFFE20] =	vst v3;
	v2 =	vld [tilespmem:s15+$0x20];
	v1 =	vmax.f32 v1, $0.0e+00  }
0xe2: {  	v9 =	vld [tilespmem:s16+$0x120];
	[tilespmem:s15+$0x1D0] =	vst v1;
	v1 =	vadd.f32 v5, v11  }
0xe3: {  	v7 =	vadd.f32 v7, v46;
	v3 =	vadd.f32 v6, v47;
	v6 =	vld [tilespmem:s16+$0xFFFFFE30]  }
0xe4: {  	v5 =	vld [tilespmem:s15+$0x1E0];
	v1 =	vmax.f32 v1, $0.0e+00  }
0xe5: {  	v11 =	vld [tilespmem:s16+$0x1E0];
	[tilespmem:s15+$0xFFFFFEA0] =	vst v1;
	v1 =	vmax.f32 v7, $0.0e+00  }
0xe6: {  	v2 =	vadd.f32 v8, v2;
	v7 =	vld [tilespmem:s16+$0xFFFFFEB0];
	[tilespmem:s15+$0xFFFFFF20] =	vst v1  }
0xe7: {  	v1 =	vmax.f32 v3, $0.0e+00;
	v3 =	vadd.f32 v4, v48;
	v4 =	vld [tilespmem:s16+$0xFFFFFF30]  }
0xe8: {  	[tilespmem:s15+$0xFFFFFFA0] =	vst v1;
	v1 =	vmax.f32 v2, $0.0e+00;
	v2 =	vadd.f32 v9, v10;
	v10 =	vld [tilespmem:s15+$0xFFFFFE30]  }
0xe9: {  	v8 =	vld [tilespmem:s16+$0xFFFFFFB0]  }
0xea: {  	[tilespmem:s15+$0x20] =	vst v1;
	v1 =	vmax.f32 v3, $0.0e+00;
	v3 =	vadd.f32 v11, v5;
	v11 =	vld [tilespmem:s15+$0xFFFFFEB0]  }
0xeb: {  	v5 =	vld [tilespmem:s16+$0x30];
	[tilespmem:s15+$0xA0] =	vst v1;
	v1 =	vmax.f32 v2, $0.0e+00  }
0xec: {  	v9 =	vld [tilespmem:s16+$0xB0];
	[tilespmem:s15+$0x120] =	vst v1  }
0xed: {  	v1 =	vmax.f32 v3, $0.0e+00;
	v3 =	vld [tilespmem:s16+$0x130]  }
0xee: {  	[tilespmem:s15+$0x1E0] =	vst v1;
	v1 =	vld [tilespmem:s15+$0x1F0]  }
0xef: {  	v2 =	vld [tilespmem:s16+$0x1F0];
	v6 =	vadd.f32 v6, v10  }
0xf0: {  	v10 =	vld [tilespmem:s15+$0xB0];
	v7 =	vadd.f32 v7, v11  }
0xf1: {  	v4 =	vadd.f32 v4, v49;
	v11 =	vld [tilespmem:s15+$0x130];
	v6 =	vmax.f32 v6, $0.0e+00  }
0xf2: {  	[tilespmem:s15+$0xFFFFFE30] =	vst v6;
	v6 =	vmax.f32 v7, $0.0e+00;
	v7 =	vld [tilespmem:s15+$0xFFFFFEC0]  }
0xf3: {  	v8 =	vadd.f32 v8, v50;
	v4 =	vmax.f32 v4, $0.0e+00;
	v53 =	vld [tilespmem:s16+$0xFFFFFE40];
	[tilespmem:s15+$0xFFFFFEB0] =	vst v6  }
0xf4: {  	v5 =	vadd.f32 v5, v51;
	[tilespmem:s15+$0xFFFFFF30] =	vst v4;
	v6 =	vld [tilespmem:s16+$0xFFFFFEC0]  }
0xf5: {  	v4 =	vmax.f32 v8, $0.0e+00;
	v8 =	vadd.f32 v9, v10;
	v9 =	vld [tilespmem:s16+$0xFFFFFF40]  }
0xf6: {  	[tilespmem:s15+$0xFFFFFFB0] =	vst v4;
	v4 =	vmax.f32 v5, $0.0e+00;
	v10 =	vld [tilespmem:s15+$0xFFFFFF40]  }
0xf7: {  	v5 =	vld [tilespmem:s16+$0xFFFFFFC0];
	[tilespmem:s15+$0x30] =	vst v4;
	v3 =	vadd.f32 v3, v11;
	v4 =	vmax.f32 v8, $0.0e+00  }
0xf8: {  	v8 =	vld [tilespmem:s16+$0x40];
	[tilespmem:s15+$0xB0] =	vst v4  }
0xf9: {  	v3 =	vmax.f32 v3, $0.0e+00;
	v4 =	vld [tilespmem:s16+$0xC0];
	v11 =	vadd.f32 v53, v52  }
0xfa: {  	[tilespmem:s15+$0x130] =	vst v3;
	v6 =	vadd.f32 v6, v7;
	v7 =	vld [tilespmem:s15+$0x40]  }
0xfb: {  	v3 =	vld [tilespmem:s16+$0x140];
	v9 =	vadd.f32 v9, v10;
	v11 =	vmax.f32 v11, $0.0e+00  }
0xfc: {  	[tilespmem:s15+$0xFFFFFE40] =	vst v11;
	v6 =	vmax.f32 v6, $0.0e+00;
	v11 =	vld [tilespmem:s15+$0x140]  }
0xfd: {  	v5 =	vadd.f32 v5, v54;
	v9 =	vmax.f32 v9, $0.0e+00;
	[tilespmem:s15+$0xFFFFFEC0] =	vst v6;
	v6 =	vld [tilespmem:s16+$0xFFFFFE50]  }
0xfe: {  	[tilespmem:s15+$0xFFFFFF40] =	vst v9;
	v10 =	vld [tilespmem:s16+$0xFFFFFED0]  }
0xff: {  	v5 =	vmax.f32 v5, $0.0e+00;
	v4 =	vadd.f32 v4, v55;
	v9 =	vld [tilespmem:s16+$0xFFFFFF50];
	v7 =	vadd.f32 v8, v7  }
0x100: {  	[tilespmem:s15+$0xFFFFFFC0] =	vst v5;
	v8 =	vld [tilespmem:s15+$0xFFFFFED0]  }
0x101: {  	v4 =	vmax.f32 v4, $0.0e+00;
	v5 =	vmax.f32 v7, $0.0e+00;
	v7 =	vld [tilespmem:s16+$0xFFFFFFD0]  }
0x102: {  	v3 =	vadd.f32 v3, v11;
	[tilespmem:s15+$0xC0] =	vst v4;
	v11 =	vld [tilespmem:s15+$0xFFFFFF50]  }
0x103: {  	[tilespmem:s15+$0x40] =	vst v5;
	v4 =	vld [tilespmem:s16+$0xD0]  }
0x104: {  	v6 =	vadd.f32 v6, v56;
	v5 =	vld [tilespmem:s16+$0x50];
	v3 =	vmax.f32 v3, $0.0e+00  }
0x105: {  	[tilespmem:s15+$0x140] =	vst v3;
	v8 =	vadd.f32 v10, v8;
	v10 =	vld [tilespmem:s15+$0x50]  }
0x106: {  	v6 =	vmax.f32 v6, $0.0e+00;
	v3 =	vld [tilespmem:s16+$0x150]  }
0x107: {  	[tilespmem:s15+$0xFFFFFE50] =	vst v6;
	v6 =	vmax.f32 v8, $0.0e+00;
	v8 =	vld [tilespmem:s15+$0x150];
	v9 =	vadd.f32 v9, v11  }
0x108: {  	v7 =	vadd.f32 v7, v57;
	[tilespmem:s15+$0xFFFFFED0] =	vst v6;
	v6 =	vld [tilespmem:s16+$0xFFFFFE60]  }
0x109: {  	v4 =	vadd.f32 v4, v58;
	v11 =	vld [tilespmem:s16+$0xFFFFFEE0];
	v9 =	vmax.f32 v9, $0.0e+00  }
0x10a: {  	v7 =	vmax.f32 v7, $0.0e+00;
	v5 =	vadd.f32 v5, v10;
	v10 =	vld [tilespmem:s15+$0xFFFFFEE0];
	[tilespmem:s15+$0xFFFFFF50] =	vst v9  }
0x10b: {  	[tilespmem:s15+$0xFFFFFFD0] =	vst v7;
	v4 =	vmax.f32 v4, $0.0e+00;
	v9 =	vld [tilespmem:s16+$0xFFFFFF60]  }
0x10c: {  	v7 =	vld [tilespmem:s16+$0xFFFFFFE0];
	[tilespmem:s15+$0xD0] =	vst v4;
	v5 =	vmax.f32 v5, $0.0e+00;
	v3 =	vadd.f32 v3, v8  }
0x10d: {  	v4 =	vld [tilespmem:s16+$0xE0];
	[tilespmem:s15+$0x50] =	vst v5  }
0x10e: {  	v5 =	vld [tilespmem:s16+$0x60];
	v3 =	vmax.f32 v3, $0.0e+00  }
0x10f: {  	v6 =	vadd.f32 v6, v59;
	[tilespmem:s15+$0x150] =	vst v3;
	v3 =	vld [tilespmem:s15+$0xFFFFFF60]  }
0x110: {  	v10 =	vadd.f32 v11, v10;
	v11 =	vld [tilespmem:s15+$0x60]  }
0x111: {  	v6 =	vmax.f32 v6, $0.0e+00;
	v8 =	vld [tilespmem:s16+$0x160]  }
0x112: {  	[tilespmem:s15+$0xFFFFFE60] =	vst v6;
	v6 =	vmax.f32 v10, $0.0e+00;
	v10 =	vld [tilespmem:s15+$0x160]  }
0x113: {  	v62 =	vld [tilespmem:s16+$0xFFFFFE70];
	[tilespmem:s15+$0xFFFFFEE0] =	vst v6;
	v6 =	vadd.f32 v7, v60  }
0x114: {  	v7 =	vld [tilespmem:s15+$0xFFFFFE70]  }
0x115: {  	v3 =	vadd.f32 v9, v3;
	v9 =	vld [tilespmem:s16+$0xFFFFFEF0];
	v6 =	vmax.f32 v6, $0.0e+00  }
0x116: {  	v5 =	vadd.f32 v5, v11;
	v11 =	vld [tilespmem:s15+$0xFFFFFEF0];
	[tilespmem:s15+$0xFFFFFFE0] =	vst v6  }
0x117: {  	v63 =	vadd.f32 v4, v61;
	v3 =	vmax.f32 v3, $0.0e+00;
	v4 =	vld [tilespmem:s16+$0xFFFFFFF0]  }
0x118: {  	v5 =	vmax.f32 v5, $0.0e+00;
	v6 =	vadd.f32 v8, v10;
	v10 =	vld [tilespmem:s15+$0xFFFFFFF0];
	[tilespmem:s15+$0xFFFFFF60] =	vst v3  }
0x119: {  	v8 =	vmax.f32 v63, $0.0e+00;
	[tilespmem:s15+$0x60] =	vst v5;
	v3 =	vld [tilespmem:s16+$0xFFFFFF70]  }
0x11a: {  	[tilespmem:s15+$0xE0] =	vst v8;
	v5 =	vld [tilespmem:s16+$0x70]  }
0x11b: {  	s17 =	sshrl.u32 s17, $0x9;
	v2 =	vadd.f32 v2, v1;
	v8 =	vmax.f32 v6, $0.0e+00;
	v6 =	vld [tilespmem:s16+$0xF0]  }
0x11c: {  	s17 =	sand.u32 $0x7F, s17;
	[tilespmem:s15+$0x160] =	vst v8;
	v8 =	vadd.f32 v62, v7;
	v7 =	vld [tilespmem:s15+$0xFFFFFF70]  }
0x11d: {  	s17 =	smul.u32 $0x3, s17;
	v2 =	vmax.f32 v2, $0.0e+00;
	v11 =	vadd.f32 v9, v11;
	v9 =	vld [tilespmem:s15+$0x70]  }
0x11e: {  	[tilespmem:s15+$0x1F0] =	vst v2;
	v1 =	vld [tilespmem:s16+$0x170];
	v2 =	vmax.f32 v8, $0.0e+00  }
0x11f: {  	s18 =	sand.u32 $0x1, s5;
	s20 =	ssub.s32 s5, s17;
	v8 =	vld [tilespmem:s15+$0xF0];
	[tilespmem:s15+$0xFFFFFE70] =	vst v2;
	v2 =	vmax.f32 v11, $0.0e+00  }
0x120: {  	s19 =	simm.s32 $0x0;
	s17 =	sand.u32 $0xFF, s20;
	s5 =	sadd.s32 $0x400, s15;
	[tilespmem:s15+$0xFFFFFEF0] =	vst v2;
	v2 =	vld [tilespmem:s15+$0x170]  }
.LBB2_8:
0x121: {  	v11 =	vld [tilespmem:s5+$0x180];
	v3 =	vadd.f32 v3, v7;
	s16 =	sadd.s32 $0x400, s16  }
0x122: {  	s19 =	sadd.s32 $0x8, s19;
	v7 =	vld [tilespmem:s16+$0x180];
	v4 =	vadd.f32 v4, v10  }
0x123: {  	p5 =	slt.u32 s19, $0x48;
	v10 =	vld [tilespmem:s16+$0xFFFFFE00];
	v3 =	vmax.f32 v3, $0.0e+00;
	v5 =	vadd.f32 v5, v9  }
0x124: {  	v9 =	vld [tilespmem:s5+$0xFFFFFE80];
	[tilespmem:s15+$0xFFFFFF70] =	vst v3;
	v3 =	vmax.f32 v4, $0.0e+00;
	v4 =	vadd.f32 v6, v8  }
0x125: {  	v6 =	vld [tilespmem:s16+$0xFFFFFE80];
	[tilespmem:s15+$0xFFFFFFF0] =	vst v3;
	v3 =	vmax.f32 v5, $0.0e+00;
	v1 =	vadd.f32 v1, v2  }
0x126: {  	v2 =	vld [tilespmem:s5+$0xFFFFFF00];
	[tilespmem:s15+$0x70] =	vst v3;
	v3 =	vmax.f32 v4, $0.0e+00  }
0x127: {  	v4 =	vld [tilespmem:s16+$0xFFFFFF00];
	v5 =	vadd.f32 v7, v11;
	[tilespmem:s15+$0xF0] =	vst v3;
	v1 =	vmax.f32 v1, $0.0e+00  }
0x128: {  	v3 =	vld [tilespmem:s5+$0xFFFFFF80];
	[tilespmem:s15+$0x170] =	vst v1;
	s15 =	smov.u32 s5  }
0x129: {  	v1 =	vld [tilespmem:s16+$0xFFFFFF80];
	v5 =	vmax.f32 v5, $0.0e+00  }
0x12a: {  	v6 =	vadd.f32 v6, v9;
	[tilespmem:s5+$0x180] =	vst v5;
	v5 =	vld [tilespmem:s5+$0x190]  }
0x12b: {  	v7 =	vld [tilespmem:s16+$0x190]  }
0x12c: {  	v6 =	vmax.f32 v6, $0.0e+00;
	v2 =	vadd.f32 v4, v2;
	v4 =	vld [tilespmem:s5+$0x0]  }
0x12d: {  	[tilespmem:s5+$0xFFFFFE80] =	vst v6;
	v6 =	vld [tilespmem:s16+$0x0]  }
0x12e: {  	v2 =	vmax.f32 v2, $0.0e+00;
	v1 =	vadd.f32 v1, v3;
	v3 =	vld [tilespmem:s5+$0x80]  }
0x12f: {  	[tilespmem:s5+$0xFFFFFF00] =	vst v2;
	v2 =	vld [tilespmem:s16+$0x80]  }
0x130: {  	v1 =	vmax.f32 v1, $0.0e+00;
	v8 =	vld [tilespmem:s5+$0x100];
	v5 =	vadd.f32 v7, v5  }
0x131: {  	[tilespmem:s5+$0xFFFFFF80] =	vst v1;
	v1 =	vld [tilespmem:s16+$0x100]  }
0x132: {  	v7 =	vld [tilespmem:s5+$0xFFFFFE00];
	v4 =	vadd.f32 v6, v4;
	v5 =	vmax.f32 v5, $0.0e+00  }
0x133: {  	[tilespmem:s5+$0x190] =	vst v5;
	v5 =	vld [tilespmem:s5+$0x1A0]  }
0x134: {  	v4 =	vmax.f32 v4, $0.0e+00;
	v2 =	vadd.f32 v2, v3;
	v3 =	vld [tilespmem:s16+$0x1A0]  }
0x135: {  	v6 =	vld [tilespmem:s16+$0xFFFFFE90];
	[tilespmem:s5+$0x0] =	vst v4  }
0x136: {  	v4 =	vld [tilespmem:s16+$0xFFFFFF10];
	v2 =	vmax.f32 v2, $0.0e+00;
	v1 =	vadd.f32 v1, v8  }
0x137: {  	v7 =	vadd.f32 v10, v7;
	v8 =	vld [tilespmem:s16+$0xFFFFFF90];
	[tilespmem:s5+$0x80] =	vst v2  }
0x138: {  	v2 =	vld [tilespmem:s16+$0x10];
	v1 =	vmax.f32 v1, $0.0e+00  }
0x139: {  	v7 =	vmax.f32 v7, $0.0e+00;
	v9 =	vld [tilespmem:s16+$0x90];
	[tilespmem:s5+$0x100] =	vst v1;
	v1 =	vadd.f32 v3, v5  }
0x13a: {  	[tilespmem:s5+$0xFFFFFE00] =	vst v7;
	v3 =	vld [tilespmem:s16+$0x110]  }
0x13b: {  	v5 =	vld [tilespmem:s16+$0xFFFFFE10];
	v1 =	vmax.f32 v1, $0.0e+00  }
0x13c: {  	[tilespmem:s5+$0x1A0] =	vst v1;
	v1 =	vld [tilespmem:s5+$0x1B0]  }
0x13d: {  	v7 =	vld [tilespmem:s16+$0x1B0]  }
0x13e: {  	v10 =	vld [tilespmem:s5+$0xFFFFFE10]  }
0x13f: {  	v11 =	vld [tilespmem:s5+$0xFFFFFE90]  }
0x140: {  	v12 =	vld [tilespmem:s5+$0xFFFFFF10]  }
0x141: {  	v13 =	vld [tilespmem:s5+$0xFFFFFF90]  }
0x142: {  	v14 =	vld [tilespmem:s5+$0x10];
	v1 =	vadd.f32 v7, v1  }
0x143: {  	v5 =	vadd.f32 v5, v10;
	v7 =	vld [tilespmem:s5+$0x90]  }
0x144: {  	v6 =	vadd.f32 v6, v11;
	v10 =	vld [tilespmem:s5+$0x110];
	v1 =	vmax.f32 v1, $0.0e+00  }
0x145: {  	v5 =	vmax.f32 v5, $0.0e+00;
	v4 =	vadd.f32 v4, v12;
	[tilespmem:s5+$0x1B0] =	vst v1;
	v1 =	vld [tilespmem:s5+$0x1C0]  }
0x146: {  	[tilespmem:s5+$0xFFFFFE10] =	vst v5;
	v5 =	vmax.f32 v6, $0.0e+00;
	v6 =	vadd.f32 v8, v13;
	v8 =	vld [tilespmem:s16+$0x1C0]  }
0x147: {  	v11 =	vld [tilespmem:s16+$0xFFFFFE20];
	[tilespmem:s5+$0xFFFFFE90] =	vst v5;
	v4 =	vmax.f32 v4, $0.0e+00;
	v2 =	vadd.f32 v2, v14  }
0x148: {  	v5 =	vld [tilespmem:s16+$0xFFFFFEA0];
	[tilespmem:s5+$0xFFFFFF10] =	vst v4;
	v4 =	vmax.f32 v6, $0.0e+00;
	v6 =	vadd.f32 v9, v7  }
0x149: {  	v7 =	vld [tilespmem:s16+$0xFFFFFF20];
	[tilespmem:s5+$0xFFFFFF90] =	vst v4;
	v2 =	vmax.f32 v2, $0.0e+00;
	v3 =	vadd.f32 v3, v10  }
0x14a: {  	v4 =	vld [tilespmem:s16+$0xFFFFFFA0];
	[tilespmem:s5+$0x10] =	vst v2;
	v2 =	vmax.f32 v6, $0.0e+00  }
0x14b: {  	v6 =	vld [tilespmem:s16+$0x20];
	[tilespmem:s5+$0x90] =	vst v2;
	v2 =	vmax.f32 v3, $0.0e+00;
	v1 =	vadd.f32 v8, v1  }
0x14c: {  	v3 =	vld [tilespmem:s16+$0xA0];
	[tilespmem:s5+$0x110] =	vst v2  }
0x14d: {  	v2 =	vld [tilespmem:s16+$0x120];
	v1 =	vmax.f32 v1, $0.0e+00  }
0x14e: {  	[tilespmem:s5+$0x1C0] =	vst v1;
	v1 =	vld [tilespmem:s5+$0x1D0]  }
0x14f: {  	v8 =	vld [tilespmem:s16+$0x1D0]  }
0x150: {  	v9 =	vld [tilespmem:s5+$0xFFFFFE20]  }
0x151: {  	v10 =	vld [tilespmem:s5+$0xFFFFFEA0]  }
0x152: {  	v12 =	vld [tilespmem:s5+$0xFFFFFF20]  }
0x153: {  	v13 =	vld [tilespmem:s5+$0xFFFFFFA0]  }
0x154: {  	v14 =	vld [tilespmem:s5+$0x20];
	v1 =	vadd.f32 v8, v1  }
0x155: {  	v8 =	vadd.f32 v11, v9;
	v9 =	vld [tilespmem:s5+$0xA0]  }
0x156: {  	v5 =	vadd.f32 v5, v10;
	v10 =	vld [tilespmem:s5+$0x120];
	v1 =	vmax.f32 v1, $0.0e+00  }
0x157: {  	v8 =	vmax.f32 v8, $0.0e+00;
	v7 =	vadd.f32 v7, v12;
	[tilespmem:s5+$0x1D0] =	vst v1;
	v1 =	vld [tilespmem:s5+$0x1E0]  }
0x158: {  	[tilespmem:s5+$0xFFFFFE20] =	vst v8;
	v5 =	vmax.f32 v5, $0.0e+00;
	v4 =	vadd.f32 v4, v13;
	v8 =	vld [tilespmem:s16+$0x1E0]  }
0x159: {  	v11 =	vld [tilespmem:s16+$0xFFFFFE30];
	[tilespmem:s5+$0xFFFFFEA0] =	vst v5;
	v5 =	vmax.f32 v7, $0.0e+00;
	v6 =	vadd.f32 v6, v14  }
0x15a: {  	v7 =	vld [tilespmem:s16+$0xFFFFFEB0];
	[tilespmem:s5+$0xFFFFFF20] =	vst v5;
	v4 =	vmax.f32 v4, $0.0e+00;
	v3 =	vadd.f32 v3, v9  }
0x15b: {  	v5 =	vld [tilespmem:s16+$0xFFFFFF30];
	[tilespmem:s5+$0xFFFFFFA0] =	vst v4;
	v4 =	vmax.f32 v6, $0.0e+00;
	v2 =	vadd.f32 v2, v10  }
0x15c: {  	v6 =	vld [tilespmem:s16+$0xFFFFFFB0];
	[tilespmem:s5+$0x20] =	vst v4;
	v3 =	vmax.f32 v3, $0.0e+00  }
0x15d: {  	v4 =	vld [tilespmem:s16+$0x30];
	[tilespmem:s5+$0xA0] =	vst v3;
	v2 =	vmax.f32 v2, $0.0e+00;
	v1 =	vadd.f32 v8, v1  }
0x15e: {  	v3 =	vld [tilespmem:s16+$0xB0];
	[tilespmem:s5+$0x120] =	vst v2  }
0x15f: {  	v2 =	vld [tilespmem:s16+$0x130];
	v1 =	vmax.f32 v1, $0.0e+00  }
0x160: {  	[tilespmem:s5+$0x1E0] =	vst v1;
	v1 =	vld [tilespmem:s5+$0x1F0]  }
0x161: {  	v8 =	vld [tilespmem:s16+$0x1F0]  }
0x162: {  	v9 =	vld [tilespmem:s5+$0xFFFFFE30]  }
0x163: {  	v10 =	vld [tilespmem:s5+$0xFFFFFEB0]  }
0x164: {  	v12 =	vld [tilespmem:s5+$0xFFFFFF30]  }
0x165: {  	v13 =	vld [tilespmem:s5+$0xFFFFFFB0]  }
0x166: {  	v14 =	vld [tilespmem:s5+$0x30];
	v1 =	vadd.f32 v8, v1  }
0x167: {  	v8 =	vadd.f32 v11, v9;
	v9 =	vld [tilespmem:s5+$0xB0]  }
0x168: {  	v7 =	vadd.f32 v7, v10;
	v10 =	vld [tilespmem:s5+$0x130];
	v1 =	vmax.f32 v1, $0.0e+00  }
0x169: {  	v8 =	vmax.f32 v8, $0.0e+00;
	v11 =	vld [tilespmem:s5+$0xFFFFFE40];
	v5 =	vadd.f32 v5, v12;
	[tilespmem:s5+$0x1F0] =	vst v1  }
0x16a: {  	[tilespmem:s5+$0xFFFFFE30] =	vst v8;
	v1 =	vmax.f32 v7, $0.0e+00;
	v7 =	vld [tilespmem:s5+$0xFFFFFEC0];
	v6 =	vadd.f32 v6, v13  }
0x16b: {  	v8 =	vld [tilespmem:s16+$0xFFFFFE40];
	[tilespmem:s5+$0xFFFFFEB0] =	vst v1;
	v1 =	vmax.f32 v5, $0.0e+00;
	v4 =	vadd.f32 v4, v14  }
0x16c: {  	v5 =	vld [tilespmem:s16+$0xFFFFFEC0];
	[tilespmem:s5+$0xFFFFFF30] =	vst v1;
	v1 =	vmax.f32 v6, $0.0e+00;
	v3 =	vadd.f32 v3, v9  }
0x16d: {  	v6 =	vld [tilespmem:s16+$0xFFFFFF40];
	[tilespmem:s5+$0xFFFFFFB0] =	vst v1;
	v1 =	vmax.f32 v4, $0.0e+00;
	v2 =	vadd.f32 v2, v10  }
0x16e: {  	v4 =	vld [tilespmem:s16+$0xFFFFFFC0];
	[tilespmem:s5+$0x30] =	vst v1;
	v1 =	vmax.f32 v3, $0.0e+00  }
0x16f: {  	v3 =	vld [tilespmem:s16+$0x40];
	[tilespmem:s5+$0xB0] =	vst v1;
	v1 =	vmax.f32 v2, $0.0e+00  }
0x170: {  	v2 =	vadd.f32 v8, v11;
	v8 =	vld [tilespmem:s16+$0xC0];
	[tilespmem:s5+$0x130] =	vst v1  }
0x171: {  	v1 =	vadd.f32 v5, v7;
	v5 =	vld [tilespmem:s16+$0x140]  }
0x172: {  	v2 =	vmax.f32 v2, $0.0e+00;
	v7 =	vld [tilespmem:s5+$0xFFFFFF40]  }
0x173: {  	[tilespmem:s5+$0xFFFFFE40] =	vst v2;
	v1 =	vmax.f32 v1, $0.0e+00;
	v2 =	vld [tilespmem:s5+$0xFFFFFFC0]  }
0x174: {  	[tilespmem:s5+$0xFFFFFEC0] =	vst v1;
	v1 =	vld [tilespmem:s5+$0x40]  }
0x175: {  	v9 =	vld [tilespmem:s5+$0xC0]  }
0x176: {  	v10 =	vld [tilespmem:s5+$0x140]  }
0x177: {  	v11 =	vld [tilespmem:s16+$0xFFFFFE50];
	v6 =	vadd.f32 v6, v7  }
0x178: {  	v7 =	vld [tilespmem:s16+$0xFFFFFED0];
	v2 =	vadd.f32 v4, v2  }
0x179: {  	v4 =	vld [tilespmem:s5+$0xFFFFFE50];
	v6 =	vmax.f32 v6, $0.0e+00;
	v1 =	vadd.f32 v3, v1  }
0x17a: {  	v3 =	vld [tilespmem:s5+$0xFFFFFED0];
	[tilespmem:s5+$0xFFFFFF40] =	vst v6;
	v2 =	vmax.f32 v2, $0.0e+00;
	v6 =	vadd.f32 v8, v9  }
0x17b: {  	v8 =	vld [tilespmem:s16+$0xFFFFFF50];
	[tilespmem:s5+$0xFFFFFFC0] =	vst v2;
	v1 =	vmax.f32 v1, $0.0e+00;
	v2 =	vadd.f32 v5, v10  }
0x17c: {  	v5 =	vld [tilespmem:s16+$0xFFFFFFD0];
	[tilespmem:s5+$0x40] =	vst v1;
	v1 =	vmax.f32 v6, $0.0e+00  }
0x17d: {  	v6 =	vld [tilespmem:s16+$0x50];
	[tilespmem:s5+$0xC0] =	vst v1;
	v1 =	vmax.f32 v2, $0.0e+00  }
0x17e: {  	v2 =	vadd.f32 v11, v4;
	v4 =	vld [tilespmem:s16+$0xD0];
	[tilespmem:s5+$0x140] =	vst v1  }
0x17f: {  	v1 =	vadd.f32 v7, v3;
	v3 =	vld [tilespmem:s16+$0x150]  }
0x180: {  	v2 =	vmax.f32 v2, $0.0e+00;
	v7 =	vld [tilespmem:s5+$0xFFFFFF50]  }
0x181: {  	[tilespmem:s5+$0xFFFFFE50] =	vst v2;
	v1 =	vmax.f32 v1, $0.0e+00;
	v2 =	vld [tilespmem:s5+$0xFFFFFFD0]  }
0x182: {  	[tilespmem:s5+$0xFFFFFED0] =	vst v1;
	v1 =	vld [tilespmem:s5+$0x50]  }
0x183: {  	v9 =	vld [tilespmem:s5+$0xD0]  }
0x184: {  	v10 =	vld [tilespmem:s5+$0x150]  }
0x185: {  	v11 =	vld [tilespmem:s16+$0xFFFFFE60];
	v7 =	vadd.f32 v8, v7  }
0x186: {  	v8 =	vld [tilespmem:s16+$0xFFFFFEE0];
	v2 =	vadd.f32 v5, v2  }
0x187: {  	v5 =	vld [tilespmem:s5+$0xFFFFFE60];
	v7 =	vmax.f32 v7, $0.0e+00;
	v1 =	vadd.f32 v6, v1  }
0x188: {  	v6 =	vld [tilespmem:s5+$0xFFFFFEE0];
	[tilespmem:s5+$0xFFFFFF50] =	vst v7;
	v2 =	vmax.f32 v2, $0.0e+00;
	v4 =	vadd.f32 v4, v9  }
0x189: {  	v7 =	vld [tilespmem:s16+$0xFFFFFF60];
	[tilespmem:s5+$0xFFFFFFD0] =	vst v2;
	v1 =	vmax.f32 v1, $0.0e+00;
	v2 =	vadd.f32 v3, v10  }
0x18a: {  	v3 =	vld [tilespmem:s16+$0xFFFFFFE0];
	[tilespmem:s5+$0x50] =	vst v1;
	v1 =	vmax.f32 v4, $0.0e+00  }
0x18b: {  	v4 =	vld [tilespmem:s16+$0x60];
	[tilespmem:s5+$0xD0] =	vst v1;
	v1 =	vmax.f32 v2, $0.0e+00  }
0x18c: {  	v2 =	vadd.f32 v11, v5;
	v5 =	vld [tilespmem:s16+$0xE0];
	[tilespmem:s5+$0x150] =	vst v1  }
0x18d: {  	v1 =	vadd.f32 v8, v6;
	v6 =	vld [tilespmem:s16+$0x160]  }
0x18e: {  	v2 =	vmax.f32 v2, $0.0e+00;
	v8 =	vld [tilespmem:s5+$0xFFFFFF60]  }
0x18f: {  	[tilespmem:s5+$0xFFFFFE60] =	vst v2;
	v1 =	vmax.f32 v1, $0.0e+00;
	v2 =	vld [tilespmem:s5+$0xFFFFFFE0]  }
0x190: {  	[tilespmem:s5+$0xFFFFFEE0] =	vst v1;
	v1 =	vld [tilespmem:s5+$0x60]  }
0x191: {  	v9 =	vld [tilespmem:s5+$0xE0]  }
0x192: {  	v10 =	vld [tilespmem:s5+$0x160]  }
0x193: {  	v11 =	vld [tilespmem:s16+$0xFFFFFE70];
	v7 =	vadd.f32 v7, v8  }
0x194: {  	v8 =	vld [tilespmem:s16+$0xFFFFFEF0];
	v2 =	vadd.f32 v3, v2  }
0x195: {  	v12 =	vld [tilespmem:s5+$0xFFFFFE70];
	v3 =	vmax.f32 v7, $0.0e+00;
	v1 =	vadd.f32 v4, v1  }
0x196: {  	v7 =	vld [tilespmem:s5+$0xFFFFFEF0];
	[tilespmem:s5+$0xFFFFFF60] =	vst v3;
	v2 =	vmax.f32 v2, $0.0e+00;
	v5 =	vadd.f32 v5, v9  }
0x197: {  	v3 =	vld [tilespmem:s16+$0xFFFFFF70];
	[tilespmem:s5+$0xFFFFFFE0] =	vst v2;
	v1 =	vmax.f32 v1, $0.0e+00;
	v2 =	vadd.f32 v6, v10  }
0x198: {  	v4 =	vld [tilespmem:s16+$0xFFFFFFF0];
	[tilespmem:s5+$0x60] =	vst v1;
	v1 =	vmax.f32 v5, $0.0e+00  }
0x199: {  	v5 =	vld [tilespmem:s16+$0x70];
	[tilespmem:s5+$0xE0] =	vst v1;
	v1 =	vmax.f32 v2, $0.0e+00  }
0x19a: {  	v2 =	vadd.f32 v11, v12;
	v6 =	vld [tilespmem:s16+$0xF0];
	[tilespmem:s5+$0x160] =	vst v1  }
0x19b: {  	v8 =	vadd.f32 v8, v7;
	v1 =	vld [tilespmem:s16+$0x170]  }
.Ltmp3:
0x19c: {  	v2 =	vmax.f32 v2, $0.0e+00;
	v7 =	vld [tilespmem:s5+$0xFFFFFF70];
	(pc) =	sbr.rel @p5 .LBB2_8-.Ltmp3, $4  }
0x19d: {  	[tilespmem:s5+$0xFFFFFE70] =	vst v2;
	v2 =	vmax.f32 v8, $0.0e+00;
	v10 =	vld [tilespmem:s5+$0xFFFFFFF0]  }
0x19e: {  	[tilespmem:s5+$0xFFFFFEF0] =	vst v2;
	v9 =	vld [tilespmem:s5+$0x70]  }
0x19f: {  	v8 =	vld [tilespmem:s5+$0xF0]  }
0x1a0: {  	s5 =	sadd.s32 $0x400, s5;
	v2 =	vld [tilespmem:s15+$0x170]  }
0x1a1: {  	v3 =	vadd.f32 v3, v7  }
0x1a2: {  	v4 =	vadd.f32 v4, v10  }
0x1a3: {  	v3 =	vmax.f32 v3, $0.0e+00;
	v5 =	vadd.f32 v5, v9  }
0x1a4: {  	[tilespmem:s15+$0xFFFFFF70] =	vst v3;
	v3 =	vmax.f32 v4, $0.0e+00;
	v63 =	vadd.f32 v6, v8  }
0x1a5: {  	s5 =	smul.u32 $0xA000, s18;
	[tilespmem:s15+$0xFFFFFFF0] =	vst v3;
	v3 =	vmax.f32 v5, $0.0e+00;
	v1 =	vadd.f32 v1, v2  }
0x1a6: {  	[tilespmem:s15+$0x70] =	vst v3;
	v2 =	vmax.f32 v63, $0.0e+00  }
0x1a7: {  	s16 =	sshll.u32 s17, $0x7;
	s5 =	sshrl.u32 s5, $0x2;
	[tilespmem:s15+$0xF0] =	vst v2;
	v1 =	vmax.f32 v1, $0.0e+00  }
0x1a8: {  	s20 =	sadd.s32 $0x180, s16;
	s5 =	sor.u32 $0x480, s5;
	[tilespmem:s15+$0x170] =	vst v1  }
0x1a9: {  	[spmem:s7] =	stream.indirect.scatter.add.f32 [tilespmem:s5], [sflag:$0x4], $0x80, s20, s3, $0xb8;
	[tilespmem:$0x1DDA0] =	vst v63  }
0x1aa: {  	s5 =	simm.s32 @!p4 $0x1  }
0x1ab: {  	_ =	swait.ge @!p4 [sflag:s5], $0x2800  }
0x1ac: {  	[sflag:s5] =	ssyncset.done @!p4 $0x0  }
0x1ad: {  	[sflag:s5] =	ssyncadd.s32 @!p4 $0xFFFFD800;
	s5 =	simm.s32 @!p4 $0x2  }
0x1ae: {  	_ =	swait.ge @!p4 [sflag:s5], $0x2800  }
0x1af: {  	[sflag:s5] =	ssyncset.done @!p4 $0x0  }
0x1b0: {  	[sflag:s5] =	ssyncadd.s32 @!p4 $0xFFFFD800;
	s5 =	simm.s32 @p3 $0x3  }
0x1b1: {  	_ =	swait.ge @p3 [sflag:s5], $0x50  }
0x1b2: {  	[sflag:s5] =	ssyncset.done @p3 $0x0  }
0x1b3: {  	[sflag:s5] =	ssyncadd.s32 @p3 $0xFFFFFFB0  }
0x1b4: {  	p0 =	sne.s32 s14, $0x7D;
	_ =	swait.ge @p3 [sflag:s5], $0x50  }
.Ltmp4:
0x1b5: {  	[sflag:s5] =	ssyncset.done @p3 $0x0;
	(pc) =	sbr.rel @p0 .LBB2_4-.Ltmp4, $4  }
0x1b6: {  	[sflag:s5] =	ssyncadd.s32 @p3 $0xFFFFFFB0  }
0x1b7: {  	_ =	swait.ge @p3 [sflag:s5], $0x50  }
0x1b8: {  	[sflag:s5] =	ssyncset.done @p3 $0x0  }
0x1b9: {  	p2 =	por !p2, !p2;
	[sflag:s5] =	ssyncadd.s32 @p3 $0xFFFFFFB0;
	s5 =	smov.u32 s14  }
0x1ba: {  	_ =	swait.ge [sflag:s13], $0x2800  }
0x1bb: {  	s5 =	stileid.u32;
	[sflag:s13] =	ssyncset.done $0x0  }
0x1bc: {  	s5 =	sshll.u32 s5, $0x6;
	[sflag:s13] =	ssyncadd.s32 $0xFFFFD800  }
0x1bd: {  	s14 =	sshrl.u32 s11, $0x3;
	s5 =	sor.u32 $0x1C05, s5;
	[bflag:$0x0] =	sbarrier.arrive $0xFFFF  }
0x1be: {  	[hbm:s21], [sflag:s5] =	dma.local [spmem:s14], $0x2700  }
0x1bf: {  	_ =	swait.ge [sflag:s31], $0x2700  }
0x1c0: {  	s8 =	sadd.s32 $0x1, s8;
	[sflag:s31] =	ssyncset.done $0x0  }
0x1c1: {  	p0 =	sne.s32 s8, s25;
	s14 =	sshrl.u32 @!p1 s29, $0x3;
	[sflag:s31] =	ssyncadd.s32 $0xFFFFD900  }
0x1c2: {  	[hbm:s24], [sflag:s5] =	dma.local @!p1 [spmem:s14], $0x100  }
.Ltmp5:
0x1c3: {  	_ = 	snop;
	(pc) =	sbr.rel @p0 .LBB2_1-.Ltmp5, $4  }
0x1c4: {  	s5 =	simm.s32 @!p1 $0x5  }
0x1c5: {  	_ =	swait.ge @!p1 [sflag:s5], $0x100  }
0x1c6: {  	[sflag:s5] =	ssyncset.done @!p1 $0x0  }
0x1c7: {  	[sflag:s5] =	ssyncadd.s32 @!p1 $0xFFFFFF00  }
0x1c8: {  	_ =	sfence.sel $0x180000  }
0x1c9: {  	[bflag:$0x0] =	sbarrier.arrive $0xFFFF  }
0x1ca: {  	_ =	strace $0x90000047  }
0x1cb: {  	[bflag:$0x2] =	sbarrier.arrive $0xFFFF  }
0x1cc: {  	s1 =	sld [smem:$0x7FD];
	_ =	sdelay $0x2  }
0x1cd: {  	s0 =	rddreg [dreg:$0x8];
	p0 =	seq.s32 s1, $0x1  }
0x1ce: {  	s0 =	sadd.s32 @!p0 $0x100000, s0  }
0x1cf: {  	[sflag:s0] =	ssyncadd.tile.s32 @!p0 $0x1;
	_ =	shalt  }
.Lfunc_end2:
_tile_overlayer_lowered:
.L_overlay_start_2:
0x1d0: {  	(tag) =	ssettag $0x2  }
0x1d1: {  	s0 =	rddreg [dreg:$0x0];
	s2 =	stileid.u32  }
0x1d2: {  	s1 =	rddreg [dreg:$0x1];
	p0 =	sne.s32 s2, $0x0  }
0x1d3: {  	s3 =	rddreg [dreg:$0x2];
	[bflag:$0x3] =	sbarrier.arrive $0xFFFF;
	s2 =	simm.s32 @!p0 $0x1C05  }
0x1d4: {  	[timem:s3], [sflag:s2] =	dma.local @!p0 [hbm:s0], s1  }
0x1d5: {  	s0 =	simm.s32 @!p0 $0x5  }
0x1d6: {  	_ =	swait.ge @!p0 [sflag:s0], s1  }
0x1d7: {  	s1 =	ssub.s32 @!p0 $0x0, s1;
	[sflag:s0] =	ssyncset.done @!p0 $0x0  }
0x1d8: {  	[sflag:s0] =	ssyncadd.s32 @!p0 s1  }
0x1d9: {  	[bflag:$0x3] =	sbarrier.arrive $0xFFFF  }
0x1da: {  	_ =	shalt  }

</sc_bundles>
